<compile_context>
chip_gen: v7x
topology: tpu7x:2x2x1
jax: 0.10.2.dev20260603
libtpu: 0.0.44.dev20260713+nightly
codegen_flags: <defaults>
</compile_context>

<pallas_src>
import functools

import jax
import jax.numpy as jnp
from jax import lax
from jax.experimental import pallas as pl
from jax.experimental.pallas import tpu as pltpu
from jax.experimental.pallas import tpu_sc as plsc

EMBED = 64
NUM_CLASSES = 32
BATCH = 4096
SEQ = 200

NC = 2
NS = 16
NW = NC * NS
BPW = BATCH // NW
CHUNK = 100
NCHUNK = SEQ // CHUNK
LANES = 16
NVREG = EMBED // LANES


VOCAB = 1000000
PANEL = 4096
NPANEL = VOCAB // PANEL
NB = NPANEL // 4
TAIL0 = NPANEL * PANEL
TAILC = VOCAB - TAIL0


def _tc_transpose(table_t, tail_packed):
    C = PANEL

    def body(t_ref, tail_ref, o_ref):
        i = pl.program_id(0)

        @pl.when(i < NB)
        def _():
            t = t_ref[...]
            for q in range(4):
                tq = t[:, q * C : (q + 1) * C]
                o_ref[pl.ds(q * (C // 2), C // 2), :] = jnp.concatenate(
                    [tq[:, 0 : C // 2].T, tq[:, C // 2 :].T], axis=1
                )

        @pl.when(i == NB)
        def _():
            o_ref[pl.ds(0, TAILC // 2), :] = tail_ref[...]

    return pl.pallas_call(
        body,
        grid=(NB + 1,),
        in_specs=[
            pl.BlockSpec((EMBED, 4 * C), lambda i: (0, jnp.minimum(i, NB - 1))),
            pl.BlockSpec((TAILC // 2, 2 * EMBED), lambda i: (0, 0)),
        ],
        out_specs=pl.BlockSpec(
            (2 * C, 2 * EMBED), lambda i: (jnp.minimum(i, NB), 0)
        ),
        out_shape=jax.ShapeDtypeStruct((VOCAB // 2, 2 * EMBED), jnp.float32),
    )(table_t, tail_packed)


def _sc_pool(x_r, table):
    mesh = plsc.VectorSubcoreMesh(core_axis_name="c", subcore_axis_name="s")

    @functools.partial(
        pl.kernel,
        out_type=jax.ShapeDtypeStruct((NW, BPW, EMBED), jnp.float32),
        mesh=mesh,
        scratch_types=[
            pltpu.VMEM((BPW, NCHUNK, CHUNK), jnp.int32),
            pltpu.VMEM((2, SEQ, EMBED), jnp.float32),
            pltpu.VMEM((BPW, EMBED), jnp.float32),
            pltpu.SemaphoreType.DMA,
            pltpu.SemaphoreType.DMA,
        ],
        compiler_params=pltpu.CompilerParams(use_tc_tiling_on_sc=False),
    )
    def pool(x_hbm, table_hbm, out_hbm, idx_v, buf_v, acc_v, sem0, sem1):
        wid = lax.axis_index("s") * NC + lax.axis_index("c")
        sems = (sem0, sem1)
        pltpu.sync_copy(x_hbm.at[wid], idx_v)

        def issue(b, p):
            for j in range(NCHUNK):
                pltpu.async_copy(
                    table_hbm.at[idx_v.at[b, j]],
                    buf_v.at[p, pl.ds(j * CHUNK, CHUNK)],
                    sems[p],
                )

        def drain(p):
            pltpu.make_async_copy(
                table_hbm.at[pl.ds(0, SEQ)], buf_v.at[p], sems[p]
            ).wait()

        issue(0, 0)
        issue(1, 1)

        def outer(g, carry):
            for p in range(2):
                b = g * 2 + p
                drain(p)

                @pl.when(b + 2 < BPW)
                def _():
                    issue(b + 2, p)

                zero = jnp.zeros((LANES,), jnp.float32)

                def inner(i, accs):
                    out = list(accs)
                    for u in range(4):
                        r = i * 4 + u
                        s = (u % 2) * NVREG
                        for k in range(NVREG):
                            out[s + k] = out[s + k] + buf_v[p, r, pl.ds(LANES * k, LANES)]
                    return tuple(out)

                accs = lax.fori_loop(0, SEQ // 4, inner, (zero,) * (2 * NVREG))
                for k in range(NVREG):
                    acc_v[b, pl.ds(LANES * k, LANES)] = accs[k] + accs[NVREG + k]
            return carry

        lax.fori_loop(0, BPW // 2, outer, 0)
        pltpu.sync_copy(acc_v, out_hbm.at[wid])

    return pool(x_r, table)


def _tc_head(sums, wt, bias):

    def head(s_ref, w_ref, b_ref, o_ref):
        doc = s_ref[...] * (1.0 / SEQ)
        o_ref[...] = (
            jnp.dot(doc, w_ref[...], preferred_element_type=jnp.float32) + b_ref[...]
        )

    return pl.pallas_call(
        head,
        out_shape=jax.ShapeDtypeStruct((BATCH, NUM_CLASSES), jnp.float32),
    )(sums, wt, bias)


def _permute_idx(x):
    blk = x & ~(PANEL - 1)
    r = x & (PANEL - 1)
    perm = blk + 2 * (r & (PANEL // 2 - 1)) + (r >> 11)
    return jnp.where(x >= TAIL0, x, perm)


def kernel(x, table, W, b):
    x_r = _permute_idx(x.astype(jnp.int32)).reshape(NW, BPW, NCHUNK, CHUNK)
    tail_packed = table[TAIL0:].reshape(TAILC // 2, 2 * EMBED)
    table_packed = _tc_transpose(table.T, tail_packed)
    table_rm = table_packed.reshape(VOCAB, EMBED)
    sums = _sc_pool(x_r, table_rm)
    return _tc_head(sums.reshape(BATCH, EMBED), W.T, b.reshape(1, NUM_CLASSES))

# --- scband reference (transcript-rebuilt; emitter-appended) ---
"""Pipeline reference for scband-fast-text-classifier-47811575939680 (READ-ONLY COPY).

The authoritative reference and input builder live on the scoring server;
editing this copy changes nothing except your own understanding.
"""

import jax, jax.numpy as jnp
import numpy as np

VOCAB = 1000000
EMBED = 64
NUM_CLASSES = 32
B = 4096
L = 200


def setup_inputs(seed: int = 0) -> dict:
    key = jax.random.key(seed)
    k_x, k_emb, k_w, k_b = jax.random.split(key, 4)
    x = jax.random.randint(k_x, (B, L), 0, VOCAB, dtype=jnp.int64 if jax.config.jax_enable_x64 else jnp.int32)
    table = jax.random.normal(k_emb, (VOCAB, EMBED), dtype=jnp.float32)
    # padding_idx=0: row 0 is zero
    table = table.at[0].set(0.0)
    # nn.Linear default init: U(-1/sqrt(in), 1/sqrt(in))
    bound = 1.0 / np.sqrt(EMBED)
    W = jax.random.uniform(k_w, (NUM_CLASSES, EMBED), minval=-bound, maxval=bound, dtype=jnp.float32)
    b = jax.random.uniform(k_b, (NUM_CLASSES,), minval=-bound, maxval=bound, dtype=jnp.float32)
    return {"x": x, "table": table, "W": W, "b": b}


def reference(x, table, W, b):
    # embedding lookup: [B, L, E]
    embedded = jnp.take(table, x, axis=0)
    # mean pool over sequence dim
    doc_vector = embedded.mean(axis=1)
    # linear head (torch Linear: y = x @ W.T + b)
    output = doc_vector @ W.T + b
    return output

if __name__ == "__main__":
    import jax
    _d = setup_inputs()
    print(jax.jit(kernel)(*tuple(_d.values())))

</pallas_src>

<mosaic_0001>
#map = affine_map<(d0, d1) -> (0, 0, 0, 0)>
#map1 = affine_map<(d0, d1) -> (0, 0)>
#map2 = affine_map<(d0, d1) -> (0, 0, 0)>
module attributes {stable_mosaic.version = 14 : i64} {
  func.func @pool(%arg0: i32, %arg1: i32, %arg2: memref<32x128x2x100xi32, #tpu.memory_space<hbm>>, %arg3: memref<1000000x64xf32, #tpu.memory_space<hbm>>, %arg4: memref<32x128x64xf32, #tpu.memory_space<hbm>>, %arg5: memref<128x2x100xi32, #tpu.memory_space<vmem>>, %arg6: memref<2x200x64xf32, #tpu.memory_space<vmem>>, %arg7: memref<128x64xf32, #tpu.memory_space<vmem>>, %arg8: memref<!tpu.dma_semaphore, #tpu.memory_space<semaphore_mem>>, %arg9: memref<!tpu.dma_semaphore, #tpu.memory_space<semaphore_mem>>) attributes {dimension_semantics = [#tpu.dimension_semantics<core_parallel>, #tpu.dimension_semantics<subcore_parallel>], iteration_bounds = array<i64: 2, 16>, scalar_prefetch = 0 : i64, scratch_operands = 5 : i64, tpu.core_type = #tpu.core_type<sc_vector_subcore>, window_params = [{transform_indices = #map}, {transform_indices = #map1}, {transform_indices = #map2}]} {
    %mul3A = arith.constant 2 : i32
    %mul3A_0 = arith.muli %arg1, %mul3A : i32
    %add3A = arith.addi %mul3A_0, %arg0 : i32
    "tpu.region"() ({
      %run_scoped3A = tpu.sem_alloc : memref<!tpu.dma_semaphore, #tpu.memory_space<semaphore_mem>>
      %dma_start3A_57 = arith.constant 0 : i32
      %dma_start3A_58 = arith.constant 0 : i32
      %dma_start3A_59 = arith.constant 0 : i32
      %dma_start3A_60 = tpu.memref_slice %arg2[%add3A, %dma_start3A_57, %dma_start3A_58, %dma_start3A_59] : memref<32x128x2x100xi32, #tpu.memory_space<hbm>> -> memref<1x128x2x100xi32, #tpu.memory_space<hbm>>
      %dma_start3A_61 = tpu.memref_squeeze %dma_start3A_60 : memref<1x128x2x100xi32, #tpu.memory_space<hbm>> -> memref<128x2x100xi32, #tpu.memory_space<hbm>>
      %dma_start3A_62 = arith.constant 0 : i32
      %dma_start3A_63 = arith.constant 0 : i32
      %dma_start3A_64 = arith.constant 0 : i32
      %dma_start3A_65 = tpu.memref_slice %arg2[%add3A, %dma_start3A_62, %dma_start3A_63, %dma_start3A_64] : memref<32x128x2x100xi32, #tpu.memory_space<hbm>> -> memref<1x128x2x100xi32, #tpu.memory_space<hbm>>
      %dma_start3A_66 = tpu.memref_squeeze %dma_start3A_65 : memref<1x128x2x100xi32, #tpu.memory_space<hbm>> -> memref<128x2x100xi32, #tpu.memory_space<hbm>>
      tpu.enqueue_dma source(%dma_start3A_66 : memref<128x2x100xi32, #tpu.memory_space<hbm>>) target(%arg5 : memref<128x2x100xi32, #tpu.memory_space<vmem>>) target_semaphore(%run_scoped3A : memref<!tpu.dma_semaphore, #tpu.memory_space<semaphore_mem>>)
      %dma_wait3A = arith.constant 0 : i32
      %dma_wait3A_67 = arith.constant 0 : i32
      %dma_wait3A_68 = arith.constant 0 : i32
      %dma_wait3A_69 = tpu.memref_slice %arg2[%add3A, %dma_wait3A, %dma_wait3A_67, %dma_wait3A_68] : memref<32x128x2x100xi32, #tpu.memory_space<hbm>> -> memref<1x128x2x100xi32, #tpu.memory_space<hbm>>
      %dma_wait3A_70 = tpu.memref_squeeze %dma_wait3A_69 : memref<1x128x2x100xi32, #tpu.memory_space<hbm>> -> memref<128x2x100xi32, #tpu.memory_space<hbm>>
      %dma_wait3A_71 = arith.constant 0 : i32
      %dma_wait3A_72 = arith.constant 0 : i32
      %dma_wait3A_73 = arith.constant 0 : i32
      %dma_wait3A_74 = tpu.memref_slice %arg2[%add3A, %dma_wait3A_71, %dma_wait3A_72, %dma_wait3A_73] : memref<32x128x2x100xi32, #tpu.memory_space<hbm>> -> memref<1x128x2x100xi32, #tpu.memory_space<hbm>>
      %dma_wait3A_75 = tpu.memref_squeeze %dma_wait3A_74 : memref<1x128x2x100xi32, #tpu.memory_space<hbm>> -> memref<128x2x100xi32, #tpu.memory_space<hbm>>
      tpu.wait_dma2 semaphore(%run_scoped3A : memref<!tpu.dma_semaphore, #tpu.memory_space<semaphore_mem>>) src(%dma_wait3A_75 : memref<128x2x100xi32, #tpu.memory_space<hbm>>) dst(%arg5 : memref<128x2x100xi32, #tpu.memory_space<vmem>>)
      tpu.yield
    }) : () -> ()
    %dma_start3A = arith.constant 0 : i32
    %dma_start3A_1 = arith.constant 0 : i32
    %dma_start3A_2 = arith.constant 0 : i32
    %dma_start3A_3 = arith.constant 0 : i32
    %dma_start3A_4 = arith.constant 0 : i32
    %dma_start3A_5 = tpu.memref_slice %arg6[%dma_start3A_2, %dma_start3A_3, %dma_start3A_4] : memref<2x200x64xf32, #tpu.memory_space<vmem>> -> memref<1x100x64xf32, #tpu.memory_space<vmem>>
    %dma_start3A_6 = tpu.memref_squeeze %dma_start3A_5 : memref<1x100x64xf32, #tpu.memory_space<vmem>> -> memref<100x64xf32, #tpu.memory_space<vmem>>
    %dma_start3A_7 = arith.constant 0 : i32
    %dma_start3A_8 = tpu.memref_slice %arg5[%dma_start3A, %dma_start3A_1, %dma_start3A_7] : memref<128x2x100xi32, #tpu.memory_space<vmem>> -> memref<1x1x100xi32, #tpu.memory_space<vmem>>
    %dma_start3A_9 = tpu.memref_squeeze %dma_start3A_8 : memref<1x1x100xi32, #tpu.memory_space<vmem>> -> memref<100xi32, #tpu.memory_space<vmem>>
    %dma_start3A_10 = arith.constant 0 : i32
    %dma_start3A_11 = arith.constant 0 : i32
    %dma_start3A_12 = tpu.memref_slice %arg3[%dma_start3A_10, %dma_start3A_11] : memref<1000000x64xf32, #tpu.memory_space<hbm>> -> memref<1000000x64xf32, #tpu.memory_space<hbm>>
    tpu.enqueue_indirect_dma source(%dma_start3A_12 : memref<1000000x64xf32, #tpu.memory_space<hbm>>) target(%dma_start3A_6 : memref<100x64xf32, #tpu.memory_space<vmem>>) offsets(%dma_start3A_9 : memref<100xi32, #tpu.memory_space<vmem>>) semaphore(%arg8 : memref<!tpu.dma_semaphore, #tpu.memory_space<semaphore_mem>>)
    %dma_start3A_13 = arith.constant 0 : i32
    %dma_start3A_14 = arith.constant 1 : i32
    %dma_start3A_15 = arith.constant 0 : i32
    %dma_start3A_16 = arith.constant 100 : i32
    %dma_start3A_17 = arith.constant 0 : i32
    %dma_start3A_18 = tpu.memref_slice %arg6[%dma_start3A_15, %dma_start3A_16, %dma_start3A_17] : memref<2x200x64xf32, #tpu.memory_space<vmem>> -> memref<1x100x64xf32, #tpu.memory_space<vmem>>
    %dma_start3A_19 = tpu.memref_squeeze %dma_start3A_18 : memref<1x100x64xf32, #tpu.memory_space<vmem>> -> memref<100x64xf32, #tpu.memory_space<vmem>>
    %dma_start3A_20 = arith.constant 0 : i32
    %dma_start3A_21 = tpu.memref_slice %arg5[%dma_start3A_13, %dma_start3A_14, %dma_start3A_20] : memref<128x2x100xi32, #tpu.memory_space<vmem>> -> memref<1x1x100xi32, #tpu.memory_space<vmem>>
    %dma_start3A_22 = tpu.memref_squeeze %dma_start3A_21 : memref<1x1x100xi32, #tpu.memory_space<vmem>> -> memref<100xi32, #tpu.memory_space<vmem>>
    %dma_start3A_23 = arith.constant 0 : i32
    %dma_start3A_24 = arith.constant 0 : i32
    %dma_start3A_25 = tpu.memref_slice %arg3[%dma_start3A_23, %dma_start3A_24] : memref<1000000x64xf32, #tpu.memory_space<hbm>> -> memref<1000000x64xf32, #tpu.memory_space<hbm>>
    tpu.enqueue_indirect_dma source(%dma_start3A_25 : memref<1000000x64xf32, #tpu.memory_space<hbm>>) target(%dma_start3A_19 : memref<100x64xf32, #tpu.memory_space<vmem>>) offsets(%dma_start3A_22 : memref<100xi32, #tpu.memory_space<vmem>>) semaphore(%arg8 : memref<!tpu.dma_semaphore, #tpu.memory_space<semaphore_mem>>)
    %dma_start3A_26 = arith.constant 1 : i32
    %dma_start3A_27 = arith.constant 0 : i32
    %dma_start3A_28 = arith.constant 1 : i32
    %dma_start3A_29 = arith.constant 0 : i32
    %dma_start3A_30 = arith.constant 0 : i32
    %dma_start3A_31 = tpu.memref_slice %arg6[%dma_start3A_28, %dma_start3A_29, %dma_start3A_30] : memref<2x200x64xf32, #tpu.memory_space<vmem>> -> memref<1x100x64xf32, #tpu.memory_space<vmem>>
    %dma_start3A_32 = tpu.memref_squeeze %dma_start3A_31 : memref<1x100x64xf32, #tpu.memory_space<vmem>> -> memref<100x64xf32, #tpu.memory_space<vmem>>
    %dma_start3A_33 = arith.constant 0 : i32
    %dma_start3A_34 = tpu.memref_slice %arg5[%dma_start3A_26, %dma_start3A_27, %dma_start3A_33] : memref<128x2x100xi32, #tpu.memory_space<vmem>> -> memref<1x1x100xi32, #tpu.memory_space<vmem>>
    %dma_start3A_35 = tpu.memref_squeeze %dma_start3A_34 : memref<1x1x100xi32, #tpu.memory_space<vmem>> -> memref<100xi32, #tpu.memory_space<vmem>>
    %dma_start3A_36 = arith.constant 0 : i32
    %dma_start3A_37 = arith.constant 0 : i32
    %dma_start3A_38 = tpu.memref_slice %arg3[%dma_start3A_36, %dma_start3A_37] : memref<1000000x64xf32, #tpu.memory_space<hbm>> -> memref<1000000x64xf32, #tpu.memory_space<hbm>>
    tpu.enqueue_indirect_dma source(%dma_start3A_38 : memref<1000000x64xf32, #tpu.memory_space<hbm>>) target(%dma_start3A_32 : memref<100x64xf32, #tpu.memory_space<vmem>>) offsets(%dma_start3A_35 : memref<100xi32, #tpu.memory_space<vmem>>) semaphore(%arg9 : memref<!tpu.dma_semaphore, #tpu.memory_space<semaphore_mem>>)
    %dma_start3A_39 = arith.constant 1 : i32
    %dma_start3A_40 = arith.constant 1 : i32
    %dma_start3A_41 = arith.constant 1 : i32
    %dma_start3A_42 = arith.constant 100 : i32
    %dma_start3A_43 = arith.constant 0 : i32
    %dma_start3A_44 = tpu.memref_slice %arg6[%dma_start3A_41, %dma_start3A_42, %dma_start3A_43] : memref<2x200x64xf32, #tpu.memory_space<vmem>> -> memref<1x100x64xf32, #tpu.memory_space<vmem>>
    %dma_start3A_45 = tpu.memref_squeeze %dma_start3A_44 : memref<1x100x64xf32, #tpu.memory_space<vmem>> -> memref<100x64xf32, #tpu.memory_space<vmem>>
    %dma_start3A_46 = arith.constant 0 : i32
    %dma_start3A_47 = tpu.memref_slice %arg5[%dma_start3A_39, %dma_start3A_40, %dma_start3A_46] : memref<128x2x100xi32, #tpu.memory_space<vmem>> -> memref<1x1x100xi32, #tpu.memory_space<vmem>>
    %dma_start3A_48 = tpu.memref_squeeze %dma_start3A_47 : memref<1x1x100xi32, #tpu.memory_space<vmem>> -> memref<100xi32, #tpu.memory_space<vmem>>
    %dma_start3A_49 = arith.constant 0 : i32
    %dma_start3A_50 = arith.constant 0 : i32
    %dma_start3A_51 = tpu.memref_slice %arg3[%dma_start3A_49, %dma_start3A_50] : memref<1000000x64xf32, #tpu.memory_space<hbm>> -> memref<1000000x64xf32, #tpu.memory_space<hbm>>
    tpu.enqueue_indirect_dma source(%dma_start3A_51 : memref<1000000x64xf32, #tpu.memory_space<hbm>>) target(%dma_start3A_45 : memref<100x64xf32, #tpu.memory_space<vmem>>) offsets(%dma_start3A_48 : memref<100xi32, #tpu.memory_space<vmem>>) semaphore(%arg9 : memref<!tpu.dma_semaphore, #tpu.memory_space<semaphore_mem>>)
    %scan3A = arith.constant 0 : i32
    %scan3A_52 = arith.constant 0 : i32
    %scan3A_53 = arith.constant 64 : i32
    %scan3A_54 = arith.addi %scan3A_52, %scan3A_53 : i32
    %scan3A_55 = arith.constant 1 : i32
    scf.for %scan3A_57 = %scan3A_52 to %scan3A_54 step %scan3A_55  : i32 {
      %mul3A_58 = arith.constant 2 : i32
      %mul3A_59 = arith.muli %scan3A_57, %mul3A_58 : i32
      %add3A_60 = arith.constant 0 : i32
      %add3A_61 = arith.addi %mul3A_59, %add3A_60 : i32
      %dma_wait3A = arith.constant 0 : i32
      %dma_wait3A_62 = arith.constant 0 : i32
      %dma_wait3A_63 = arith.constant 0 : i32
      %dma_wait3A_64 = tpu.memref_slice %arg6[%dma_wait3A, %dma_wait3A_62, %dma_wait3A_63] : memref<2x200x64xf32, #tpu.memory_space<vmem>> -> memref<1x200x64xf32, #tpu.memory_space<vmem>>
      %dma_wait3A_65 = tpu.memref_squeeze %dma_wait3A_64 : memref<1x200x64xf32, #tpu.memory_space<vmem>> -> memref<200x64xf32, #tpu.memory_space<vmem>>
      %dma_wait3A_66 = arith.constant 0 : i32
      %dma_wait3A_67 = arith.constant 0 : i32
      %dma_wait3A_68 = tpu.memref_slice %arg3[%dma_wait3A_66, %dma_wait3A_67] : memref<1000000x64xf32, #tpu.memory_space<hbm>> -> memref<200x64xf32, #tpu.memory_space<hbm>>
      %dma_wait3A_69 = arith.constant 0 : i32
      %dma_wait3A_70 = arith.constant 0 : i32
      %dma_wait3A_71 = tpu.memref_slice %arg6[%dma_wait3A, %dma_wait3A_69, %dma_wait3A_70] : memref<2x200x64xf32, #tpu.memory_space<vmem>> -> memref<1x200x64xf32, #tpu.memory_space<vmem>>
      %dma_wait3A_72 = tpu.memref_squeeze %dma_wait3A_71 : memref<1x200x64xf32, #tpu.memory_space<vmem>> -> memref<200x64xf32, #tpu.memory_space<vmem>>
      %dma_wait3A_73 = arith.constant 0 : i32
      %dma_wait3A_74 = arith.constant 0 : i32
      %dma_wait3A_75 = tpu.memref_slice %arg3[%dma_wait3A_73, %dma_wait3A_74] : memref<1000000x64xf32, #tpu.memory_space<hbm>> -> memref<200x64xf32, #tpu.memory_space<hbm>>
      tpu.wait_dma2 semaphore(%arg8 : memref<!tpu.dma_semaphore, #tpu.memory_space<semaphore_mem>>) src(%dma_wait3A_75 : memref<200x64xf32, #tpu.memory_space<hbm>>) dst(%dma_wait3A_72 : memref<200x64xf32, #tpu.memory_space<vmem>>)
      %add3A_76 = arith.constant 2 : i32
      %add3A_77 = arith.addi %add3A_61, %add3A_76 : i32
      %lt3A = arith.constant 128 : i32
      %lt3A_78 = arith.cmpi slt, %add3A_77, %lt3A : i32
      %convert_element_type3A = arith.extui %lt3A_78 : i1 to i32
      %cond3A = arith.constant 0 : i32
      %cond3A_79 = arith.cmpi ne, %convert_element_type3A, %cond3A : i32
      scf.if %cond3A_79 {
        %add3A_168 = arith.constant 2 : i32
        %add3A_169 = arith.addi %add3A_61, %add3A_168 : i32
        %dma_start3A_170 = arith.constant 0 : i32
        %dma_start3A_171 = arith.constant 0 : i32
        %dma_start3A_172 = arith.constant 0 : i32
        %dma_start3A_173 = arith.constant 0 : i32
        %dma_start3A_174 = tpu.memref_slice %arg6[%dma_start3A_171, %dma_start3A_172, %dma_start3A_173] : memref<2x200x64xf32, #tpu.memory_space<vmem>> -> memref<1x100x64xf32, #tpu.memory_space<vmem>>
        %dma_start3A_175 = tpu.memref_squeeze %dma_start3A_174 : memref<1x100x64xf32, #tpu.memory_space<vmem>> -> memref<100x64xf32, #tpu.memory_space<vmem>>
        %dma_start3A_176 = arith.constant 0 : i32
        %dma_start3A_177 = tpu.memref_slice %arg5[%add3A_169, %dma_start3A_170, %dma_start3A_176] : memref<128x2x100xi32, #tpu.memory_space<vmem>> -> memref<1x1x100xi32, #tpu.memory_space<vmem>>
        %dma_start3A_178 = tpu.memref_squeeze %dma_start3A_177 : memref<1x1x100xi32, #tpu.memory_space<vmem>> -> memref<100xi32, #tpu.memory_space<vmem>>
        %dma_start3A_179 = arith.constant 0 : i32
        %dma_start3A_180 = arith.constant 0 : i32
        %dma_start3A_181 = tpu.memref_slice %arg3[%dma_start3A_179, %dma_start3A_180] : memref<1000000x64xf32, #tpu.memory_space<hbm>> -> memref<1000000x64xf32, #tpu.memory_space<hbm>>
        tpu.enqueue_indirect_dma source(%dma_start3A_181 : memref<1000000x64xf32, #tpu.memory_space<hbm>>) target(%dma_start3A_175 : memref<100x64xf32, #tpu.memory_space<vmem>>) offsets(%dma_start3A_178 : memref<100xi32, #tpu.memory_space<vmem>>) semaphore(%arg8 : memref<!tpu.dma_semaphore, #tpu.memory_space<semaphore_mem>>)
        %dma_start3A_182 = arith.constant 1 : i32
        %dma_start3A_183 = arith.constant 0 : i32
        %dma_start3A_184 = arith.constant 100 : i32
        %dma_start3A_185 = arith.constant 0 : i32
        %dma_start3A_186 = tpu.memref_slice %arg6[%dma_start3A_183, %dma_start3A_184, %dma_start3A_185] : memref<2x200x64xf32, #tpu.memory_space<vmem>> -> memref<1x100x64xf32, #tpu.memory_space<vmem>>
        %dma_start3A_187 = tpu.memref_squeeze %dma_start3A_186 : memref<1x100x64xf32, #tpu.memory_space<vmem>> -> memref<100x64xf32, #tpu.memory_space<vmem>>
        %dma_start3A_188 = arith.constant 0 : i32
        %dma_start3A_189 = tpu.memref_slice %arg5[%add3A_169, %dma_start3A_182, %dma_start3A_188] : memref<128x2x100xi32, #tpu.memory_space<vmem>> -> memref<1x1x100xi32, #tpu.memory_space<vmem>>
        %dma_start3A_190 = tpu.memref_squeeze %dma_start3A_189 : memref<1x1x100xi32, #tpu.memory_space<vmem>> -> memref<100xi32, #tpu.memory_space<vmem>>
        %dma_start3A_191 = arith.constant 0 : i32
        %dma_start3A_192 = arith.constant 0 : i32
        %dma_start3A_193 = tpu.memref_slice %arg3[%dma_start3A_191, %dma_start3A_192] : memref<1000000x64xf32, #tpu.memory_space<hbm>> -> memref<1000000x64xf32, #tpu.memory_space<hbm>>
        tpu.enqueue_indirect_dma source(%dma_start3A_193 : memref<1000000x64xf32, #tpu.memory_space<hbm>>) target(%dma_start3A_187 : memref<100x64xf32, #tpu.memory_space<vmem>>) offsets(%dma_start3A_190 : memref<100xi32, #tpu.memory_space<vmem>>) semaphore(%arg8 : memref<!tpu.dma_semaphore, #tpu.memory_space<semaphore_mem>>)
      } else {
      }
      %broadcast_in_dim3A = arith.constant 0.000000e+00 : f32
      %broadcast_in_dim3A_80 = vector.broadcast %broadcast_in_dim3A : f32 to vector<16xf32>
      %scan3A_81 = arith.constant 0 : i32
      %scan3A_82 = arith.constant 50 : i32
      %scan3A_83 = arith.addi %scan3A_81, %scan3A_82 : i32
      %scan3A_84 = arith.constant 1 : i32
      %scan3A_85:8 = scf.for %scan3A_168 = %scan3A_81 to %scan3A_83 step %scan3A_84 iter_args(%scan3A_169 = %broadcast_in_dim3A_80, %scan3A_170 = %broadcast_in_dim3A_80, %scan3A_171 = %broadcast_in_dim3A_80, %scan3A_172 = %broadcast_in_dim3A_80, %scan3A_173 = %broadcast_in_dim3A_80, %scan3A_174 = %broadcast_in_dim3A_80, %scan3A_175 = %broadcast_in_dim3A_80, %scan3A_176 = %broadcast_in_dim3A_80) -> (vector<16xf32>, vector<16xf32>, vector<16xf32>, vector<16xf32>, vector<16xf32>, vector<16xf32>, vector<16xf32>, vector<16xf32>)  : i32 {
        %mul3A_177 = arith.constant 4 : i32
        %mul3A_178 = arith.muli %scan3A_168, %mul3A_177 : i32
        %add3A_179 = arith.constant 0 : i32
        %add3A_180 = arith.addi %mul3A_178, %add3A_179 : i32
        %get3A = arith.constant 0 : i32
        %get3A_181 = arith.index_cast %get3A : i32 to index
        %get3A_182 = arith.index_cast %add3A_180 : i32 to index
        %get3A_183 = arith.constant 0 : index
        %get3A_184 = tpu.vector_load %arg6[%get3A_181, %get3A_182, %get3A_183] {strides = array<i32>} : memref<2x200x64xf32, #tpu.memory_space<vmem>>, vector<1x1x16xf32>,
        %get3A_185 = vector.shape_cast %get3A_184 : vector<1x1x16xf32> to vector<16xf32>
        %add3A_186 = arith.addf %scan3A_169, %get3A_185 : vector<16xf32>
        %get3A_187 = arith.constant 0 : i32
        %get3A_188 = arith.index_cast %get3A_187 : i32 to index
        %get3A_189 = arith.index_cast %add3A_180 : i32 to index
        %get3A_190 = arith.constant 16 : index
        %get3A_191 = tpu.vector_load %arg6[%get3A_188, %get3A_189, %get3A_190] {strides = array<i32>} : memref<2x200x64xf32, #tpu.memory_space<vmem>>, vector<1x1x16xf32>,
        %get3A_192 = vector.shape_cast %get3A_191 : vector<1x1x16xf32> to vector<16xf32>
        %add3A_193 = arith.addf %scan3A_170, %get3A_192 : vector<16xf32>
        %get3A_194 = arith.constant 0 : i32
        %get3A_195 = arith.index_cast %get3A_194 : i32 to index
        %get3A_196 = arith.index_cast %add3A_180 : i32 to index
        %get3A_197 = arith.constant 32 : index
        %get3A_198 = tpu.vector_load %arg6[%get3A_195, %get3A_196, %get3A_197] {strides = array<i32>} : memref<2x200x64xf32, #tpu.memory_space<vmem>>, vector<1x1x16xf32>,
        %get3A_199 = vector.shape_cast %get3A_198 : vector<1x1x16xf32> to vector<16xf32>
        %add3A_200 = arith.addf %scan3A_171, %get3A_199 : vector<16xf32>
        %get3A_201 = arith.constant 0 : i32
        %get3A_202 = arith.index_cast %get3A_201 : i32 to index
        %get3A_203 = arith.index_cast %add3A_180 : i32 to index
        %get3A_204 = arith.constant 48 : index
        %get3A_205 = tpu.vector_load %arg6[%get3A_202, %get3A_203, %get3A_204] {strides = array<i32>} : memref<2x200x64xf32, #tpu.memory_space<vmem>>, vector<1x1x16xf32>,
        %get3A_206 = vector.shape_cast %get3A_205 : vector<1x1x16xf32> to vector<16xf32>
        %add3A_207 = arith.addf %scan3A_172, %get3A_206 : vector<16xf32>
        %mul3A_208 = arith.constant 4 : i32
        %mul3A_209 = arith.muli %scan3A_168, %mul3A_208 : i32
        %add3A_210 = arith.constant 1 : i32
        %add3A_211 = arith.addi %mul3A_209, %add3A_210 : i32
        %get3A_212 = arith.constant 0 : i32
        %get3A_213 = arith.index_cast %get3A_212 : i32 to index
        %get3A_214 = arith.index_cast %add3A_211 : i32 to index
        %get3A_215 = arith.constant 0 : index
        %get3A_216 = tpu.vector_load %arg6[%get3A_213, %get3A_214, %get3A_215] {strides = array<i32>} : memref<2x200x64xf32, #tpu.memory_space<vmem>>, vector<1x1x16xf32>,
        %get3A_217 = vector.shape_cast %get3A_216 : vector<1x1x16xf32> to vector<16xf32>
        %add3A_218 = arith.addf %scan3A_173, %get3A_217 : vector<16xf32>
        %get3A_219 = arith.constant 0 : i32
        %get3A_220 = arith.index_cast %get3A_219 : i32 to index
        %get3A_221 = arith.index_cast %add3A_211 : i32 to index
        %get3A_222 = arith.constant 16 : index
        %get3A_223 = tpu.vector_load %arg6[%get3A_220, %get3A_221, %get3A_222] {strides = array<i32>} : memref<2x200x64xf32, #tpu.memory_space<vmem>>, vector<1x1x16xf32>,
        %get3A_224 = vector.shape_cast %get3A_223 : vector<1x1x16xf32> to vector<16xf32>
        %add3A_225 = arith.addf %scan3A_174, %get3A_224 : vector<16xf32>
        %get3A_226 = arith.constant 0 : i32
        %get3A_227 = arith.index_cast %get3A_226 : i32 to index
        %get3A_228 = arith.index_cast %add3A_211 : i32 to index
        %get3A_229 = arith.constant 32 : index
        %get3A_230 = tpu.vector_load %arg6[%get3A_227, %get3A_228, %get3A_229] {strides = array<i32>} : memref<2x200x64xf32, #tpu.memory_space<vmem>>, vector<1x1x16xf32>,
        %get3A_231 = vector.shape_cast %get3A_230 : vector<1x1x16xf32> to vector<16xf32>
        %add3A_232 = arith.addf %scan3A_175, %get3A_231 : vector<16xf32>
        %get3A_233 = arith.constant 0 : i32
        %get3A_234 = arith.index_cast %get3A_233 : i32 to index
        %get3A_235 = arith.index_cast %add3A_211 : i32 to index
        %get3A_236 = arith.constant 48 : index
        %get3A_237 = tpu.vector_load %arg6[%get3A_234, %get3A_235, %get3A_236] {strides = array<i32>} : memref<2x200x64xf32, #tpu.memory_space<vmem>>, vector<1x1x16xf32>,
        %get3A_238 = vector.shape_cast %get3A_237 : vector<1x1x16xf32> to vector<16xf32>
        %add3A_239 = arith.addf %scan3A_176, %get3A_238 : vector<16xf32>
        %mul3A_240 = arith.constant 4 : i32
        %mul3A_241 = arith.muli %scan3A_168, %mul3A_240 : i32
        %add3A_242 = arith.constant 2 : i32
        %add3A_243 = arith.addi %mul3A_241, %add3A_242 : i32
        %get3A_244 = arith.constant 0 : i32
        %get3A_245 = arith.index_cast %get3A_244 : i32 to index
        %get3A_246 = arith.index_cast %add3A_243 : i32 to index
        %get3A_247 = arith.constant 0 : index
        %get3A_248 = tpu.vector_load %arg6[%get3A_245, %get3A_246, %get3A_247] {strides = array<i32>} : memref<2x200x64xf32, #tpu.memory_space<vmem>>, vector<1x1x16xf32>,
        %get3A_249 = vector.shape_cast %get3A_248 : vector<1x1x16xf32> to vector<16xf32>
        %add3A_250 = arith.addf %add3A_186, %get3A_249 : vector<16xf32>
        %get3A_251 = arith.constant 0 : i32
        %get3A_252 = arith.index_cast %get3A_251 : i32 to index
        %get3A_253 = arith.index_cast %add3A_243 : i32 to index
        %get3A_254 = arith.constant 16 : index
        %get3A_255 = tpu.vector_load %arg6[%get3A_252, %get3A_253, %get3A_254] {strides = array<i32>} : memref<2x200x64xf32, #tpu.memory_space<vmem>>, vector<1x1x16xf32>,
        %get3A_256 = vector.shape_cast %get3A_255 : vector<1x1x16xf32> to vector<16xf32>
        %add3A_257 = arith.addf %add3A_193, %get3A_256 : vector<16xf32>
        %get3A_258 = arith.constant 0 : i32
        %get3A_259 = arith.index_cast %get3A_258 : i32 to index
        %get3A_260 = arith.index_cast %add3A_243 : i32 to index
        %get3A_261 = arith.constant 32 : index
        %get3A_262 = tpu.vector_load %arg6[%get3A_259, %get3A_260, %get3A_261] {strides = array<i32>} : memref<2x200x64xf32, #tpu.memory_space<vmem>>, vector<1x1x16xf32>,
        %get3A_263 = vector.shape_cast %get3A_262 : vector<1x1x16xf32> to vector<16xf32>
        %add3A_264 = arith.addf %add3A_200, %get3A_263 : vector<16xf32>
        %get3A_265 = arith.constant 0 : i32
        %get3A_266 = arith.index_cast %get3A_265 : i32 to index
        %get3A_267 = arith.index_cast %add3A_243 : i32 to index
        %get3A_268 = arith.constant 48 : index
        %get3A_269 = tpu.vector_load %arg6[%get3A_266, %get3A_267, %get3A_268] {strides = array<i32>} : memref<2x200x64xf32, #tpu.memory_space<vmem>>, vector<1x1x16xf32>,
        %get3A_270 = vector.shape_cast %get3A_269 : vector<1x1x16xf32> to vector<16xf32>
        %add3A_271 = arith.addf %add3A_207, %get3A_270 : vector<16xf32>
        %mul3A_272 = arith.constant 4 : i32
        %mul3A_273 = arith.muli %scan3A_168, %mul3A_272 : i32
        %add3A_274 = arith.constant 3 : i32
        %add3A_275 = arith.addi %mul3A_273, %add3A_274 : i32
        %get3A_276 = arith.constant 0 : i32
        %get3A_277 = arith.index_cast %get3A_276 : i32 to index
        %get3A_278 = arith.index_cast %add3A_275 : i32 to index
        %get3A_279 = arith.constant 0 : index
        %get3A_280 = tpu.vector_load %arg6[%get3A_277, %get3A_278, %get3A_279] {strides = array<i32>} : memref<2x200x64xf32, #tpu.memory_space<vmem>>, vector<1x1x16xf32>,
        %get3A_281 = vector.shape_cast %get3A_280 : vector<1x1x16xf32> to vector<16xf32>
        %add3A_282 = arith.addf %add3A_218, %get3A_281 : vector<16xf32>
        %get3A_283 = arith.constant 0 : i32
        %get3A_284 = arith.index_cast %get3A_283 : i32 to index
        %get3A_285 = arith.index_cast %add3A_275 : i32 to index
        %get3A_286 = arith.constant 16 : index
        %get3A_287 = tpu.vector_load %arg6[%get3A_284, %get3A_285, %get3A_286] {strides = array<i32>} : memref<2x200x64xf32, #tpu.memory_space<vmem>>, vector<1x1x16xf32>,
        %get3A_288 = vector.shape_cast %get3A_287 : vector<1x1x16xf32> to vector<16xf32>
        %add3A_289 = arith.addf %add3A_225, %get3A_288 : vector<16xf32>
        %get3A_290 = arith.constant 0 : i32
        %get3A_291 = arith.index_cast %get3A_290 : i32 to index
        %get3A_292 = arith.index_cast %add3A_275 : i32 to index
        %get3A_293 = arith.constant 32 : index
        %get3A_294 = tpu.vector_load %arg6[%get3A_291, %get3A_292, %get3A_293] {strides = array<i32>} : memref<2x200x64xf32, #tpu.memory_space<vmem>>, vector<1x1x16xf32>,
        %get3A_295 = vector.shape_cast %get3A_294 : vector<1x1x16xf32> to vector<16xf32>
        %add3A_296 = arith.addf %add3A_232, %get3A_295 : vector<16xf32>
        %get3A_297 = arith.constant 0 : i32
        %get3A_298 = arith.index_cast %get3A_297 : i32 to index
        %get3A_299 = arith.index_cast %add3A_275 : i32 to index
        %get3A_300 = arith.constant 48 : index
        %get3A_301 = tpu.vector_load %arg6[%get3A_298, %get3A_299, %get3A_300] {strides = array<i32>} : memref<2x200x64xf32, #tpu.memory_space<vmem>>, vector<1x1x16xf32>,
        %get3A_302 = vector.shape_cast %get3A_301 : vector<1x1x16xf32> to vector<16xf32>
        %add3A_303 = arith.addf %add3A_239, %get3A_302 : vector<16xf32>
        scf.yield %add3A_250, %add3A_257, %add3A_264, %add3A_271, %add3A_282, %add3A_289, %add3A_296, %add3A_303 : vector<16xf32>, vector<16xf32>, vector<16xf32>, vector<16xf32>, vector<16xf32>, vector<16xf32>, vector<16xf32>, vector<16xf32>
      }
      %scan3A_86 = arith.constant 50 : i32
      %add3A_87 = arith.addf %scan3A_85#0, %scan3A_85#4 : vector<16xf32>
      %swap3A = arith.index_cast %add3A_61 : i32 to index
      %swap3A_88 = arith.constant 0 : index
      %swap3A_89 = tpu.vector_load %arg7[%swap3A, %swap3A_88] {strides = array<i32>} : memref<128x64xf32, #tpu.memory_space<vmem>>, vector<1x16xf32>,
      %swap3A_90 = vector.shape_cast %swap3A_89 : vector<1x16xf32> to vector<16xf32>
      %swap3A_91 = vector.shape_cast %add3A_87 : vector<16xf32> to vector<1x16xf32>
      tpu.vector_store %arg7[%swap3A, %swap3A_88], %swap3A_91 {strides = array<i32>} : memref<128x64xf32, #tpu.memory_space<vmem>>, vector<1x16xf32>,
      %add3A_92 = arith.addf %scan3A_85#1, %scan3A_85#5 : vector<16xf32>
      %swap3A_93 = arith.index_cast %add3A_61 : i32 to index
      %swap3A_94 = arith.constant 16 : index
      %swap3A_95 = tpu.vector_load %arg7[%swap3A_93, %swap3A_94] {strides = array<i32>} : memref<128x64xf32, #tpu.memory_space<vmem>>, vector<1x16xf32>,
      %swap3A_96 = vector.shape_cast %swap3A_95 : vector<1x16xf32> to vector<16xf32>
      %swap3A_97 = vector.shape_cast %add3A_92 : vector<16xf32> to vector<1x16xf32>
      tpu.vector_store %arg7[%swap3A_93, %swap3A_94], %swap3A_97 {strides = array<i32>} : memref<128x64xf32, #tpu.memory_space<vmem>>, vector<1x16xf32>,
      %add3A_98 = arith.addf %scan3A_85#2, %scan3A_85#6 : vector<16xf32>
      %swap3A_99 = arith.index_cast %add3A_61 : i32 to index
      %swap3A_100 = arith.constant 32 : index
      %swap3A_101 = tpu.vector_load %arg7[%swap3A_99, %swap3A_100] {strides = array<i32>} : memref<128x64xf32, #tpu.memory_space<vmem>>, vector<1x16xf32>,
      %swap3A_102 = vector.shape_cast %swap3A_101 : vector<1x16xf32> to vector<16xf32>
      %swap3A_103 = vector.shape_cast %add3A_98 : vector<16xf32> to vector<1x16xf32>
      tpu.vector_store %arg7[%swap3A_99, %swap3A_100], %swap3A_103 {strides = array<i32>} : memref<128x64xf32, #tpu.memory_space<vmem>>, vector<1x16xf32>,
      %add3A_104 = arith.addf %scan3A_85#3, %scan3A_85#7 : vector<16xf32>
      %swap3A_105 = arith.index_cast %add3A_61 : i32 to index
      %swap3A_106 = arith.constant 48 : index
      %swap3A_107 = tpu.vector_load %arg7[%swap3A_105, %swap3A_106] {strides = array<i32>} : memref<128x64xf32, #tpu.memory_space<vmem>>, vector<1x16xf32>,
      %swap3A_108 = vector.shape_cast %swap3A_107 : vector<1x16xf32> to vector<16xf32>
      %swap3A_109 = vector.shape_cast %add3A_104 : vector<16xf32> to vector<1x16xf32>
      tpu.vector_store %arg7[%swap3A_105, %swap3A_106], %swap3A_109 {strides = array<i32>} : memref<128x64xf32, #tpu.memory_space<vmem>>, vector<1x16xf32>,
      %mul3A_110 = arith.constant 2 : i32
      %mul3A_111 = arith.muli %scan3A_57, %mul3A_110 : i32
      %add3A_112 = arith.constant 1 : i32
      %add3A_113 = arith.addi %mul3A_111, %add3A_112 : i32
      %dma_wait3A_114 = arith.constant 1 : i32
      %dma_wait3A_115 = arith.constant 0 : i32
      %dma_wait3A_116 = arith.constant 0 : i32
      %dma_wait3A_117 = tpu.memref_slice %arg6[%dma_wait3A_114, %dma_wait3A_115, %dma_wait3A_116] : memref<2x200x64xf32, #tpu.memory_space<vmem>> -> memref<1x200x64xf32, #tpu.memory_space<vmem>>
      %dma_wait3A_118 = tpu.memref_squeeze %dma_wait3A_117 : memref<1x200x64xf32, #tpu.memory_space<vmem>> -> memref<200x64xf32, #tpu.memory_space<vmem>>
      %dma_wait3A_119 = arith.constant 0 : i32
      %dma_wait3A_120 = arith.constant 0 : i32
      %dma_wait3A_121 = tpu.memref_slice %arg3[%dma_wait3A_119, %dma_wait3A_120] : memref<1000000x64xf32, #tpu.memory_space<hbm>> -> memref<200x64xf32, #tpu.memory_space<hbm>>
      %dma_wait3A_122 = arith.constant 0 : i32
      %dma_wait3A_123 = arith.constant 0 : i32
      %dma_wait3A_124 = tpu.memref_slice %arg6[%dma_wait3A_114, %dma_wait3A_122, %dma_wait3A_123] : memref<2x200x64xf32, #tpu.memory_space<vmem>> -> memref<1x200x64xf32, #tpu.memory_space<vmem>>
      %dma_wait3A_125 = tpu.memref_squeeze %dma_wait3A_124 : memref<1x200x64xf32, #tpu.memory_space<vmem>> -> memref<200x64xf32, #tpu.memory_space<vmem>>
      %dma_wait3A_126 = arith.constant 0 : i32
      %dma_wait3A_127 = arith.constant 0 : i32
      %dma_wait3A_128 = tpu.memref_slice %arg3[%dma_wait3A_126, %dma_wait3A_127] : memref<1000000x64xf32, #tpu.memory_space<hbm>> -> memref<200x64xf32, #tpu.memory_space<hbm>>
      tpu.wait_dma2 semaphore(%arg9 : memref<!tpu.dma_semaphore, #tpu.memory_space<semaphore_mem>>) src(%dma_wait3A_128 : memref<200x64xf32, #tpu.memory_space<hbm>>) dst(%dma_wait3A_125 : memref<200x64xf32, #tpu.memory_space<vmem>>)
      %add3A_129 = arith.constant 2 : i32
      %add3A_130 = arith.addi %add3A_113, %add3A_129 : i32
      %lt3A_131 = arith.constant 128 : i32
      %lt3A_132 = arith.cmpi slt, %add3A_130, %lt3A_131 : i32
      %convert_element_type3A_133 = arith.extui %lt3A_132 : i1 to i32
      %cond3A_134 = arith.constant 0 : i32
      %cond3A_135 = arith.cmpi ne, %convert_element_type3A_133, %cond3A_134 : i32
      scf.if %cond3A_135 {
        %add3A_168 = arith.constant 2 : i32
        %add3A_169 = arith.addi %add3A_113, %add3A_168 : i32
        %dma_start3A_170 = arith.constant 0 : i32
        %dma_start3A_171 = arith.constant 1 : i32
        %dma_start3A_172 = arith.constant 0 : i32
        %dma_start3A_173 = arith.constant 0 : i32
        %dma_start3A_174 = tpu.memref_slice %arg6[%dma_start3A_171, %dma_start3A_172, %dma_start3A_173] : memref<2x200x64xf32, #tpu.memory_space<vmem>> -> memref<1x100x64xf32, #tpu.memory_space<vmem>>
        %dma_start3A_175 = tpu.memref_squeeze %dma_start3A_174 : memref<1x100x64xf32, #tpu.memory_space<vmem>> -> memref<100x64xf32, #tpu.memory_space<vmem>>
        %dma_start3A_176 = arith.constant 0 : i32
        %dma_start3A_177 = tpu.memref_slice %arg5[%add3A_169, %dma_start3A_170, %dma_start3A_176] : memref<128x2x100xi32, #tpu.memory_space<vmem>> -> memref<1x1x100xi32, #tpu.memory_space<vmem>>
        %dma_start3A_178 = tpu.memref_squeeze %dma_start3A_177 : memref<1x1x100xi32, #tpu.memory_space<vmem>> -> memref<100xi32, #tpu.memory_space<vmem>>
        %dma_start3A_179 = arith.constant 0 : i32
        %dma_start3A_180 = arith.constant 0 : i32
        %dma_start3A_181 = tpu.memref_slice %arg3[%dma_start3A_179, %dma_start3A_180] : memref<1000000x64xf32, #tpu.memory_space<hbm>> -> memref<1000000x64xf32, #tpu.memory_space<hbm>>
        tpu.enqueue_indirect_dma source(%dma_start3A_181 : memref<1000000x64xf32, #tpu.memory_space<hbm>>) target(%dma_start3A_175 : memref<100x64xf32, #tpu.memory_space<vmem>>) offsets(%dma_start3A_178 : memref<100xi32, #tpu.memory_space<vmem>>) semaphore(%arg9 : memref<!tpu.dma_semaphore, #tpu.memory_space<semaphore_mem>>)
        %dma_start3A_182 = arith.constant 1 : i32
        %dma_start3A_183 = arith.constant 1 : i32
        %dma_start3A_184 = arith.constant 100 : i32
        %dma_start3A_185 = arith.constant 0 : i32
        %dma_start3A_186 = tpu.memref_slice %arg6[%dma_start3A_183, %dma_start3A_184, %dma_start3A_185] : memref<2x200x64xf32, #tpu.memory_space<vmem>> -> memref<1x100x64xf32, #tpu.memory_space<vmem>>
        %dma_start3A_187 = tpu.memref_squeeze %dma_start3A_186 : memref<1x100x64xf32, #tpu.memory_space<vmem>> -> memref<100x64xf32, #tpu.memory_space<vmem>>
        %dma_start3A_188 = arith.constant 0 : i32
        %dma_start3A_189 = tpu.memref_slice %arg5[%add3A_169, %dma_start3A_182, %dma_start3A_188] : memref<128x2x100xi32, #tpu.memory_space<vmem>> -> memref<1x1x100xi32, #tpu.memory_space<vmem>>
        %dma_start3A_190 = tpu.memref_squeeze %dma_start3A_189 : memref<1x1x100xi32, #tpu.memory_space<vmem>> -> memref<100xi32, #tpu.memory_space<vmem>>
        %dma_start3A_191 = arith.constant 0 : i32
        %dma_start3A_192 = arith.constant 0 : i32
        %dma_start3A_193 = tpu.memref_slice %arg3[%dma_start3A_191, %dma_start3A_192] : memref<1000000x64xf32, #tpu.memory_space<hbm>> -> memref<1000000x64xf32, #tpu.memory_space<hbm>>
        tpu.enqueue_indirect_dma source(%dma_start3A_193 : memref<1000000x64xf32, #tpu.memory_space<hbm>>) target(%dma_start3A_187 : memref<100x64xf32, #tpu.memory_space<vmem>>) offsets(%dma_start3A_190 : memref<100xi32, #tpu.memory_space<vmem>>) semaphore(%arg9 : memref<!tpu.dma_semaphore, #tpu.memory_space<semaphore_mem>>)
      } else {
      }
      %broadcast_in_dim3A_136 = arith.constant 0.000000e+00 : f32
      %broadcast_in_dim3A_137 = vector.broadcast %broadcast_in_dim3A_136 : f32 to vector<16xf32>
      %scan3A_138 = arith.constant 0 : i32
      %scan3A_139 = arith.constant 50 : i32
      %scan3A_140 = arith.addi %scan3A_138, %scan3A_139 : i32
      %scan3A_141 = arith.constant 1 : i32
      %scan3A_142:8 = scf.for %scan3A_168 = %scan3A_138 to %scan3A_140 step %scan3A_141 iter_args(%scan3A_169 = %broadcast_in_dim3A_137, %scan3A_170 = %broadcast_in_dim3A_137, %scan3A_171 = %broadcast_in_dim3A_137, %scan3A_172 = %broadcast_in_dim3A_137, %scan3A_173 = %broadcast_in_dim3A_137, %scan3A_174 = %broadcast_in_dim3A_137, %scan3A_175 = %broadcast_in_dim3A_137, %scan3A_176 = %broadcast_in_dim3A_137) -> (vector<16xf32>, vector<16xf32>, vector<16xf32>, vector<16xf32>, vector<16xf32>, vector<16xf32>, vector<16xf32>, vector<16xf32>)  : i32 {
        %mul3A_177 = arith.constant 4 : i32
        %mul3A_178 = arith.muli %scan3A_168, %mul3A_177 : i32
        %add3A_179 = arith.constant 0 : i32
        %add3A_180 = arith.addi %mul3A_178, %add3A_179 : i32
        %get3A = arith.constant 1 : i32
        %get3A_181 = arith.index_cast %get3A : i32 to index
        %get3A_182 = arith.index_cast %add3A_180 : i32 to index
        %get3A_183 = arith.constant 0 : index
        %get3A_184 = tpu.vector_load %arg6[%get3A_181, %get3A_182, %get3A_183] {strides = array<i32>} : memref<2x200x64xf32, #tpu.memory_space<vmem>>, vector<1x1x16xf32>,
        %get3A_185 = vector.shape_cast %get3A_184 : vector<1x1x16xf32> to vector<16xf32>
        %add3A_186 = arith.addf %scan3A_169, %get3A_185 : vector<16xf32>
        %get3A_187 = arith.constant 1 : i32
        %get3A_188 = arith.index_cast %get3A_187 : i32 to index
        %get3A_189 = arith.index_cast %add3A_180 : i32 to index
        %get3A_190 = arith.constant 16 : index
        %get3A_191 = tpu.vector_load %arg6[%get3A_188, %get3A_189, %get3A_190] {strides = array<i32>} : memref<2x200x64xf32, #tpu.memory_space<vmem>>, vector<1x1x16xf32>,
        %get3A_192 = vector.shape_cast %get3A_191 : vector<1x1x16xf32> to vector<16xf32>
        %add3A_193 = arith.addf %scan3A_170, %get3A_192 : vector<16xf32>
        %get3A_194 = arith.constant 1 : i32
        %get3A_195 = arith.index_cast %get3A_194 : i32 to index
        %get3A_196 = arith.index_cast %add3A_180 : i32 to index
        %get3A_197 = arith.constant 32 : index
        %get3A_198 = tpu.vector_load %arg6[%get3A_195, %get3A_196, %get3A_197] {strides = array<i32>} : memref<2x200x64xf32, #tpu.memory_space<vmem>>, vector<1x1x16xf32>,
        %get3A_199 = vector.shape_cast %get3A_198 : vector<1x1x16xf32> to vector<16xf32>
        %add3A_200 = arith.addf %scan3A_171, %get3A_199 : vector<16xf32>
        %get3A_201 = arith.constant 1 : i32
        %get3A_202 = arith.index_cast %get3A_201 : i32 to index
        %get3A_203 = arith.index_cast %add3A_180 : i32 to index
        %get3A_204 = arith.constant 48 : index
        %get3A_205 = tpu.vector_load %arg6[%get3A_202, %get3A_203, %get3A_204] {strides = array<i32>} : memref<2x200x64xf32, #tpu.memory_space<vmem>>, vector<1x1x16xf32>,
        %get3A_206 = vector.shape_cast %get3A_205 : vector<1x1x16xf32> to vector<16xf32>
        %add3A_207 = arith.addf %scan3A_172, %get3A_206 : vector<16xf32>
        %mul3A_208 = arith.constant 4 : i32
        %mul3A_209 = arith.muli %scan3A_168, %mul3A_208 : i32
        %add3A_210 = arith.constant 1 : i32
        %add3A_211 = arith.addi %mul3A_209, %add3A_210 : i32
        %get3A_212 = arith.constant 1 : i32
        %get3A_213 = arith.index_cast %get3A_212 : i32 to index
        %get3A_214 = arith.index_cast %add3A_211 : i32 to index
        %get3A_215 = arith.constant 0 : index
        %get3A_216 = tpu.vector_load %arg6[%get3A_213, %get3A_214, %get3A_215] {strides = array<i32>} : memref<2x200x64xf32, #tpu.memory_space<vmem>>, vector<1x1x16xf32>,
        %get3A_217 = vector.shape_cast %get3A_216 : vector<1x1x16xf32> to vector<16xf32>
        %add3A_218 = arith.addf %scan3A_173, %get3A_217 : vector<16xf32>
        %get3A_219 = arith.constant 1 : i32
        %get3A_220 = arith.index_cast %get3A_219 : i32 to index
        %get3A_221 = arith.index_cast %add3A_211 : i32 to index
        %get3A_222 = arith.constant 16 : index
        %get3A_223 = tpu.vector_load %arg6[%get3A_220, %get3A_221, %get3A_222] {strides = array<i32>} : memref<2x200x64xf32, #tpu.memory_space<vmem>>, vector<1x1x16xf32>,
        %get3A_224 = vector.shape_cast %get3A_223 : vector<1x1x16xf32> to vector<16xf32>
        %add3A_225 = arith.addf %scan3A_174, %get3A_224 : vector<16xf32>
        %get3A_226 = arith.constant 1 : i32
        %get3A_227 = arith.index_cast %get3A_226 : i32 to index
        %get3A_228 = arith.index_cast %add3A_211 : i32 to index
        %get3A_229 = arith.constant 32 : index
        %get3A_230 = tpu.vector_load %arg6[%get3A_227, %get3A_228, %get3A_229] {strides = array<i32>} : memref<2x200x64xf32, #tpu.memory_space<vmem>>, vector<1x1x16xf32>,
        %get3A_231 = vector.shape_cast %get3A_230 : vector<1x1x16xf32> to vector<16xf32>
        %add3A_232 = arith.addf %scan3A_175, %get3A_231 : vector<16xf32>
        %get3A_233 = arith.constant 1 : i32
        %get3A_234 = arith.index_cast %get3A_233 : i32 to index
        %get3A_235 = arith.index_cast %add3A_211 : i32 to index
        %get3A_236 = arith.constant 48 : index
        %get3A_237 = tpu.vector_load %arg6[%get3A_234, %get3A_235, %get3A_236] {strides = array<i32>} : memref<2x200x64xf32, #tpu.memory_space<vmem>>, vector<1x1x16xf32>,
        %get3A_238 = vector.shape_cast %get3A_237 : vector<1x1x16xf32> to vector<16xf32>
        %add3A_239 = arith.addf %scan3A_176, %get3A_238 : vector<16xf32>
        %mul3A_240 = arith.constant 4 : i32
        %mul3A_241 = arith.muli %scan3A_168, %mul3A_240 : i32
        %add3A_242 = arith.constant 2 : i32
        %add3A_243 = arith.addi %mul3A_241, %add3A_242 : i32
        %get3A_244 = arith.constant 1 : i32
        %get3A_245 = arith.index_cast %get3A_244 : i32 to index
        %get3A_246 = arith.index_cast %add3A_243 : i32 to index
        %get3A_247 = arith.constant 0 : index
        %get3A_248 = tpu.vector_load %arg6[%get3A_245, %get3A_246, %get3A_247] {strides = array<i32>} : memref<2x200x64xf32, #tpu.memory_space<vmem>>, vector<1x1x16xf32>,
        %get3A_249 = vector.shape_cast %get3A_248 : vector<1x1x16xf32> to vector<16xf32>
        %add3A_250 = arith.addf %add3A_186, %get3A_249 : vector<16xf32>
        %get3A_251 = arith.constant 1 : i32
        %get3A_252 = arith.index_cast %get3A_251 : i32 to index
        %get3A_253 = arith.index_cast %add3A_243 : i32 to index
        %get3A_254 = arith.constant 16 : index
        %get3A_255 = tpu.vector_load %arg6[%get3A_252, %get3A_253, %get3A_254] {strides = array<i32>} : memref<2x200x64xf32, #tpu.memory_space<vmem>>, vector<1x1x16xf32>,
        %get3A_256 = vector.shape_cast %get3A_255 : vector<1x1x16xf32> to vector<16xf32>
        %add3A_257 = arith.addf %add3A_193, %get3A_256 : vector<16xf32>
        %get3A_258 = arith.constant 1 : i32
        %get3A_259 = arith.index_cast %get3A_258 : i32 to index
        %get3A_260 = arith.index_cast %add3A_243 : i32 to index
        %get3A_261 = arith.constant 32 : index
        %get3A_262 = tpu.vector_load %arg6[%get3A_259, %get3A_260, %get3A_261] {strides = array<i32>} : memref<2x200x64xf32, #tpu.memory_space<vmem>>, vector<1x1x16xf32>,
        %get3A_263 = vector.shape_cast %get3A_262 : vector<1x1x16xf32> to vector<16xf32>
        %add3A_264 = arith.addf %add3A_200, %get3A_263 : vector<16xf32>
        %get3A_265 = arith.constant 1 : i32
        %get3A_266 = arith.index_cast %get3A_265 : i32 to index
        %get3A_267 = arith.index_cast %add3A_243 : i32 to index
        %get3A_268 = arith.constant 48 : index
        %get3A_269 = tpu.vector_load %arg6[%get3A_266, %get3A_267, %get3A_268] {strides = array<i32>} : memref<2x200x64xf32, #tpu.memory_space<vmem>>, vector<1x1x16xf32>,
        %get3A_270 = vector.shape_cast %get3A_269 : vector<1x1x16xf32> to vector<16xf32>
        %add3A_271 = arith.addf %add3A_207, %get3A_270 : vector<16xf32>
        %mul3A_272 = arith.constant 4 : i32
        %mul3A_273 = arith.muli %scan3A_168, %mul3A_272 : i32
        %add3A_274 = arith.constant 3 : i32
        %add3A_275 = arith.addi %mul3A_273, %add3A_274 : i32
        %get3A_276 = arith.constant 1 : i32
        %get3A_277 = arith.index_cast %get3A_276 : i32 to index
        %get3A_278 = arith.index_cast %add3A_275 : i32 to index
        %get3A_279 = arith.constant 0 : index
        %get3A_280 = tpu.vector_load %arg6[%get3A_277, %get3A_278, %get3A_279] {strides = array<i32>} : memref<2x200x64xf32, #tpu.memory_space<vmem>>, vector<1x1x16xf32>,
        %get3A_281 = vector.shape_cast %get3A_280 : vector<1x1x16xf32> to vector<16xf32>
        %add3A_282 = arith.addf %add3A_218, %get3A_281 : vector<16xf32>
        %get3A_283 = arith.constant 1 : i32
        %get3A_284 = arith.index_cast %get3A_283 : i32 to index
        %get3A_285 = arith.index_cast %add3A_275 : i32 to index
        %get3A_286 = arith.constant 16 : index
        %get3A_287 = tpu.vector_load %arg6[%get3A_284, %get3A_285, %get3A_286] {strides = array<i32>} : memref<2x200x64xf32, #tpu.memory_space<vmem>>, vector<1x1x16xf32>,
        %get3A_288 = vector.shape_cast %get3A_287 : vector<1x1x16xf32> to vector<16xf32>
        %add3A_289 = arith.addf %add3A_225, %get3A_288 : vector<16xf32>
        %get3A_290 = arith.constant 1 : i32
        %get3A_291 = arith.index_cast %get3A_290 : i32 to index
        %get3A_292 = arith.index_cast %add3A_275 : i32 to index
        %get3A_293 = arith.constant 32 : index
        %get3A_294 = tpu.vector_load %arg6[%get3A_291, %get3A_292, %get3A_293] {strides = array<i32>} : memref<2x200x64xf32, #tpu.memory_space<vmem>>, vector<1x1x16xf32>,
        %get3A_295 = vector.shape_cast %get3A_294 : vector<1x1x16xf32> to vector<16xf32>
        %add3A_296 = arith.addf %add3A_232, %get3A_295 : vector<16xf32>
        %get3A_297 = arith.constant 1 : i32
        %get3A_298 = arith.index_cast %get3A_297 : i32 to index
        %get3A_299 = arith.index_cast %add3A_275 : i32 to index
        %get3A_300 = arith.constant 48 : index
        %get3A_301 = tpu.vector_load %arg6[%get3A_298, %get3A_299, %get3A_300] {strides = array<i32>} : memref<2x200x64xf32, #tpu.memory_space<vmem>>, vector<1x1x16xf32>,
        %get3A_302 = vector.shape_cast %get3A_301 : vector<1x1x16xf32> to vector<16xf32>
        %add3A_303 = arith.addf %add3A_239, %get3A_302 : vector<16xf32>
        scf.yield %add3A_250, %add3A_257, %add3A_264, %add3A_271, %add3A_282, %add3A_289, %add3A_296, %add3A_303 : vector<16xf32>, vector<16xf32>, vector<16xf32>, vector<16xf32>, vector<16xf32>, vector<16xf32>, vector<16xf32>, vector<16xf32>
      }
      %scan3A_143 = arith.constant 50 : i32
      %add3A_144 = arith.addf %scan3A_142#0, %scan3A_142#4 : vector<16xf32>
      %swap3A_145 = arith.index_cast %add3A_113 : i32 to index
      %swap3A_146 = arith.constant 0 : index
      %swap3A_147 = tpu.vector_load %arg7[%swap3A_145, %swap3A_146] {strides = array<i32>} : memref<128x64xf32, #tpu.memory_space<vmem>>, vector<1x16xf32>,
      %swap3A_148 = vector.shape_cast %swap3A_147 : vector<1x16xf32> to vector<16xf32>
      %swap3A_149 = vector.shape_cast %add3A_144 : vector<16xf32> to vector<1x16xf32>
      tpu.vector_store %arg7[%swap3A_145, %swap3A_146], %swap3A_149 {strides = array<i32>} : memref<128x64xf32, #tpu.memory_space<vmem>>, vector<1x16xf32>,
      %add3A_150 = arith.addf %scan3A_142#1, %scan3A_142#5 : vector<16xf32>
      %swap3A_151 = arith.index_cast %add3A_113 : i32 to index
      %swap3A_152 = arith.constant 16 : index
      %swap3A_153 = tpu.vector_load %arg7[%swap3A_151, %swap3A_152] {strides = array<i32>} : memref<128x64xf32, #tpu.memory_space<vmem>>, vector<1x16xf32>,
      %swap3A_154 = vector.shape_cast %swap3A_153 : vector<1x16xf32> to vector<16xf32>
      %swap3A_155 = vector.shape_cast %add3A_150 : vector<16xf32> to vector<1x16xf32>
      tpu.vector_store %arg7[%swap3A_151, %swap3A_152], %swap3A_155 {strides = array<i32>} : memref<128x64xf32, #tpu.memory_space<vmem>>, vector<1x16xf32>,
      %add3A_156 = arith.addf %scan3A_142#2, %scan3A_142#6 : vector<16xf32>
      %swap3A_157 = arith.index_cast %add3A_113 : i32 to index
      %swap3A_158 = arith.constant 32 : index
      %swap3A_159 = tpu.vector_load %arg7[%swap3A_157, %swap3A_158] {strides = array<i32>} : memref<128x64xf32, #tpu.memory_space<vmem>>, vector<1x16xf32>,
      %swap3A_160 = vector.shape_cast %swap3A_159 : vector<1x16xf32> to vector<16xf32>
      %swap3A_161 = vector.shape_cast %add3A_156 : vector<16xf32> to vector<1x16xf32>
      tpu.vector_store %arg7[%swap3A_157, %swap3A_158], %swap3A_161 {strides = array<i32>} : memref<128x64xf32, #tpu.memory_space<vmem>>, vector<1x16xf32>,
      %add3A_162 = arith.addf %scan3A_142#3, %scan3A_142#7 : vector<16xf32>
      %swap3A_163 = arith.index_cast %add3A_113 : i32 to index
      %swap3A_164 = arith.constant 48 : index
      %swap3A_165 = tpu.vector_load %arg7[%swap3A_163, %swap3A_164] {strides = array<i32>} : memref<128x64xf32, #tpu.memory_space<vmem>>, vector<1x16xf32>,
      %swap3A_166 = vector.shape_cast %swap3A_165 : vector<1x16xf32> to vector<16xf32>
      %swap3A_167 = vector.shape_cast %add3A_162 : vector<16xf32> to vector<1x16xf32>
      tpu.vector_store %arg7[%swap3A_163, %swap3A_164], %swap3A_167 {strides = array<i32>} : memref<128x64xf32, #tpu.memory_space<vmem>>, vector<1x16xf32>,
    }
    %scan3A_56 = arith.constant 64 : i32
    "tpu.region"() ({
      %run_scoped3A = tpu.sem_alloc : memref<!tpu.dma_semaphore, #tpu.memory_space<semaphore_mem>>
      %dma_start3A_57 = arith.constant 0 : i32
      %dma_start3A_58 = arith.constant 0 : i32
      %dma_start3A_59 = tpu.memref_slice %arg4[%add3A, %dma_start3A_57, %dma_start3A_58] : memref<32x128x64xf32, #tpu.memory_space<hbm>> -> memref<1x128x64xf32, #tpu.memory_space<hbm>>
      %dma_start3A_60 = tpu.memref_squeeze %dma_start3A_59 : memref<1x128x64xf32, #tpu.memory_space<hbm>> -> memref<128x64xf32, #tpu.memory_space<hbm>>
      %dma_start3A_61 = arith.constant 0 : i32
      %dma_start3A_62 = arith.constant 0 : i32
      %dma_start3A_63 = tpu.memref_slice %arg4[%add3A, %dma_start3A_61, %dma_start3A_62] : memref<32x128x64xf32, #tpu.memory_space<hbm>> -> memref<1x128x64xf32, #tpu.memory_space<hbm>>
      %dma_start3A_64 = tpu.memref_squeeze %dma_start3A_63 : memref<1x128x64xf32, #tpu.memory_space<hbm>> -> memref<128x64xf32, #tpu.memory_space<hbm>>
      tpu.enqueue_dma source(%arg7 : memref<128x64xf32, #tpu.memory_space<vmem>>) target(%dma_start3A_64 : memref<128x64xf32, #tpu.memory_space<hbm>>) target_semaphore(%run_scoped3A : memref<!tpu.dma_semaphore, #tpu.memory_space<semaphore_mem>>)
      %dma_wait3A = arith.constant 0 : i32
      %dma_wait3A_65 = arith.constant 0 : i32
      %dma_wait3A_66 = tpu.memref_slice %arg4[%add3A, %dma_wait3A, %dma_wait3A_65] : memref<32x128x64xf32, #tpu.memory_space<hbm>> -> memref<1x128x64xf32, #tpu.memory_space<hbm>>
      %dma_wait3A_67 = tpu.memref_squeeze %dma_wait3A_66 : memref<1x128x64xf32, #tpu.memory_space<hbm>> -> memref<128x64xf32, #tpu.memory_space<hbm>>
      %dma_wait3A_68 = arith.constant 0 : i32
      %dma_wait3A_69 = arith.constant 0 : i32
      %dma_wait3A_70 = tpu.memref_slice %arg4[%add3A, %dma_wait3A_68, %dma_wait3A_69] : memref<32x128x64xf32, #tpu.memory_space<hbm>> -> memref<1x128x64xf32, #tpu.memory_space<hbm>>
      %dma_wait3A_71 = tpu.memref_squeeze %dma_wait3A_70 : memref<1x128x64xf32, #tpu.memory_space<hbm>> -> memref<128x64xf32, #tpu.memory_space<hbm>>
      tpu.wait_dma2 semaphore(%run_scoped3A : memref<!tpu.dma_semaphore, #tpu.memory_space<semaphore_mem>>) src(%arg7 : memref<128x64xf32, #tpu.memory_space<vmem>>) dst(%dma_wait3A_71 : memref<128x64xf32, #tpu.memory_space<hbm>>)
      tpu.yield
    }) : () -> ()
    return
  }
}

module attributes {stable_mosaic.version = 14 : i64} {
  func.func @body(%arg0: i32, %arg1: memref<64x16384xf32, #tpu.memory_space<vmem>>, %arg2: memref<288x128xf32, #tpu.memory_space<vmem>>, %arg3: memref<8192x128xf32, #tpu.memory_space<vmem>>) attributes {dimension_semantics = [#tpu.dimension_semantics<arbitrary>], iteration_bounds = array<i64: 62>, scalar_prefetch = 0 : i64, scratch_operands = 0 : i64, tpu.core_type = #tpu.core_type<tc>, window_params = [{transform_indices = @transform_0, window_bounds = array<i64: 64, 16384>}, {pipeline_mode = #tpu.pipeline_mode<synchronous>, transform_indices = @transform_1, window_bounds = array<i64: 288, 128>}, {transform_indices = @transform_2, window_bounds = array<i64: 8192, 128>}]} {
    %lt3A = arith.constant 61 : i32
    %lt3A_0 = arith.cmpi slt, %arg0, %lt3A : i32
    %convert_element_type3A = arith.extui %lt3A_0 : i1 to i32
    %cond3A = arith.constant 0 : i32
    %cond3A_1 = arith.cmpi ne, %convert_element_type3A, %cond3A : i32
    scf.if %cond3A_1 {
      %get3A = arith.constant 0 : index
      %get3A_6 = arith.constant 0 : index
      %get3A_7 = vector.load %arg1[%get3A, %get3A_6] : memref<64x16384xf32, #tpu.memory_space<vmem>>, vector<64x16384xf32>
      %slice3A = vector.extract_strided_slice %get3A_7 {offsets = [0, 0], sizes = [64, 4096], strides = [1, 1]} : vector<64x16384xf32> to vector<64x4096xf32>
      %slice3A_8 = vector.extract_strided_slice %slice3A {offsets = [0, 0], sizes = [64, 2048], strides = [1, 1]} : vector<64x4096xf32> to vector<64x2048xf32>
      %transpose3A = tpu.transpose %slice3A_8, [1, 0] : vector<64x2048xf32> -> vector<2048x64xf32>
      %slice3A_9 = vector.extract_strided_slice %slice3A {offsets = [0, 2048], sizes = [64, 2048], strides = [1, 1]} : vector<64x4096xf32> to vector<64x2048xf32>
      %transpose3A_10 = tpu.transpose %slice3A_9, [1, 0] : vector<64x2048xf32> -> vector<2048x64xf32>
      %concatenate3A = tpu.concatenate %transpose3A, %transpose3A_10 in 1 : vector<2048x64xf32>, vector<2048x64xf32> -> vector<2048x128xf32>
      %swap3A = arith.constant 0 : index
      %swap3A_11 = arith.constant 0 : index
      %swap3A_12 = vector.load %arg3[%swap3A, %swap3A_11] : memref<8192x128xf32, #tpu.memory_space<vmem>>, vector<2048x128xf32>
      tpu.vector_store %arg3[%swap3A, %swap3A_11], %concatenate3A {strides = array<i32>} : memref<8192x128xf32, #tpu.memory_space<vmem>>, vector<2048x128xf32>,
      %slice3A_13 = vector.extract_strided_slice %get3A_7 {offsets = [0, 4096], sizes = [64, 4096], strides = [1, 1]} : vector<64x16384xf32> to vector<64x4096xf32>
      %slice3A_14 = vector.extract_strided_slice %slice3A_13 {offsets = [0, 0], sizes = [64, 2048], strides = [1, 1]} : vector<64x4096xf32> to vector<64x2048xf32>
      %transpose3A_15 = tpu.transpose %slice3A_14, [1, 0] : vector<64x2048xf32> -> vector<2048x64xf32>
      %slice3A_16 = vector.extract_strided_slice %slice3A_13 {offsets = [0, 2048], sizes = [64, 2048], strides = [1, 1]} : vector<64x4096xf32> to vector<64x2048xf32>
      %transpose3A_17 = tpu.transpose %slice3A_16, [1, 0] : vector<64x2048xf32> -> vector<2048x64xf32>
      %concatenate3A_18 = tpu.concatenate %transpose3A_15, %transpose3A_17 in 1 : vector<2048x64xf32>, vector<2048x64xf32> -> vector<2048x128xf32>
      %swap3A_19 = arith.constant 2048 : index
      %swap3A_20 = arith.constant 0 : index
      %swap3A_21 = vector.load %arg3[%swap3A_19, %swap3A_20] : memref<8192x128xf32, #tpu.memory_space<vmem>>, vector<2048x128xf32>
      tpu.vector_store %arg3[%swap3A_19, %swap3A_20], %concatenate3A_18 {strides = array<i32>} : memref<8192x128xf32, #tpu.memory_space<vmem>>, vector<2048x128xf32>,
      %slice3A_22 = vector.extract_strided_slice %get3A_7 {offsets = [0, 8192], sizes = [64, 4096], strides = [1, 1]} : vector<64x16384xf32> to vector<64x4096xf32>
      %slice3A_23 = vector.extract_strided_slice %slice3A_22 {offsets = [0, 0], sizes = [64, 2048], strides = [1, 1]} : vector<64x4096xf32> to vector<64x2048xf32>
      %transpose3A_24 = tpu.transpose %slice3A_23, [1, 0] : vector<64x2048xf32> -> vector<2048x64xf32>
      %slice3A_25 = vector.extract_strided_slice %slice3A_22 {offsets = [0, 2048], sizes = [64, 2048], strides = [1, 1]} : vector<64x4096xf32> to vector<64x2048xf32>
      %transpose3A_26 = tpu.transpose %slice3A_25, [1, 0] : vector<64x2048xf32> -> vector<2048x64xf32>
      %concatenate3A_27 = tpu.concatenate %transpose3A_24, %transpose3A_26 in 1 : vector<2048x64xf32>, vector<2048x64xf32> -> vector<2048x128xf32>
      %swap3A_28 = arith.constant 4096 : index
      %swap3A_29 = arith.constant 0 : index
      %swap3A_30 = vector.load %arg3[%swap3A_28, %swap3A_29] : memref<8192x128xf32, #tpu.memory_space<vmem>>, vector<2048x128xf32>
      tpu.vector_store %arg3[%swap3A_28, %swap3A_29], %concatenate3A_27 {strides = array<i32>} : memref<8192x128xf32, #tpu.memory_space<vmem>>, vector<2048x128xf32>,
      %slice3A_31 = vector.extract_strided_slice %get3A_7 {offsets = [0, 12288], sizes = [64, 4096], strides = [1, 1]} : vector<64x16384xf32> to vector<64x4096xf32>
      %slice3A_32 = vector.extract_strided_slice %slice3A_31 {offsets = [0, 0], sizes = [64, 2048], strides = [1, 1]} : vector<64x4096xf32> to vector<64x2048xf32>
      %transpose3A_33 = tpu.transpose %slice3A_32, [1, 0] : vector<64x2048xf32> -> vector<2048x64xf32>
      %slice3A_34 = vector.extract_strided_slice %slice3A_31 {offsets = [0, 2048], sizes = [64, 2048], strides = [1, 1]} : vector<64x4096xf32> to vector<64x2048xf32>
      %transpose3A_35 = tpu.transpose %slice3A_34, [1, 0] : vector<64x2048xf32> -> vector<2048x64xf32>
      %concatenate3A_36 = tpu.concatenate %transpose3A_33, %transpose3A_35 in 1 : vector<2048x64xf32>, vector<2048x64xf32> -> vector<2048x128xf32>
      %swap3A_37 = arith.constant 6144 : index
      %swap3A_38 = arith.constant 0 : index
      %swap3A_39 = vector.load %arg3[%swap3A_37, %swap3A_38] : memref<8192x128xf32, #tpu.memory_space<vmem>>, vector<2048x128xf32>
      tpu.vector_store %arg3[%swap3A_37, %swap3A_38], %concatenate3A_36 {strides = array<i32>} : memref<8192x128xf32, #tpu.memory_space<vmem>>, vector<2048x128xf32>,
    } else {
    }
    %eq3A = arith.constant 61 : i32
    %eq3A_2 = arith.cmpi eq, %arg0, %eq3A : i32
    %convert_element_type3A_3 = arith.extui %eq3A_2 : i1 to i32
    %cond3A_4 = arith.constant 0 : i32
    %cond3A_5 = arith.cmpi ne, %convert_element_type3A_3, %cond3A_4 : i32
    scf.if %cond3A_5 {
      %get3A = arith.constant 0 : index
      %get3A_6 = arith.constant 0 : index
      %get3A_7 = vector.load %arg2[%get3A, %get3A_6] : memref<288x128xf32, #tpu.memory_space<vmem>>, vector<288x128xf32>
      %swap3A = arith.constant 0 : index
      %swap3A_8 = arith.constant 0 : index
      %swap3A_9 = vector.load %arg3[%swap3A, %swap3A_8] : memref<8192x128xf32, #tpu.memory_space<vmem>>, vector<288x128xf32>
      tpu.vector_store %arg3[%swap3A, %swap3A_8], %get3A_7 {strides = array<i32>} : memref<8192x128xf32, #tpu.memory_space<vmem>>, vector<288x128xf32>,
    } else {
    }
    return
  }
  func.func @transform_0(%arg0: i32) -> (i32, i32) {
    %min3A = arith.constant 60 : i32
    %min3A_0 = arith.minsi %arg0, %min3A : i32
    %c0_i32 = arith.constant 0 : i32
    %c0_i32_1 = arith.constant 0 : i32
    return %c0_i32, %min3A_0 : i32, i32
  }
  func.func @transform_1(%arg0: i32) -> (i32, i32) {
    %c0_i32 = arith.constant 0 : i32
    %c0_i32_0 = arith.constant 0 : i32
    %c0_i32_1 = arith.constant 0 : i32
    return %c0_i32, %c0_i32_0 : i32, i32
  }
  func.func @transform_2(%arg0: i32) -> (i32, i32) {
    %min3A = arith.constant 61 : i32
    %min3A_0 = arith.minsi %arg0, %min3A : i32
    %c0_i32 = arith.constant 0 : i32
    %c0_i32_1 = arith.constant 0 : i32
    return %min3A_0, %c0_i32 : i32, i32
  }
}

module attributes {stable_mosaic.version = 14 : i64} {
  func.func @head(%arg0: memref<4096x64xf32, #tpu.memory_space<vmem>>, %arg1: memref<64x32xf32, #tpu.memory_space<vmem>>, %arg2: memref<1x32xf32, #tpu.memory_space<vmem>>, %arg3: memref<4096x32xf32, #tpu.memory_space<vmem>>) attributes {dimension_semantics = [], scalar_prefetch = 0 : i64, scratch_operands = 0 : i64, tpu.core_type = #tpu.core_type<tc>} {
    %get3A = arith.constant 0 : index
    %get3A_0 = arith.constant 0 : index
    %get3A_1 = vector.load %arg0[%get3A, %get3A_0] : memref<4096x64xf32, #tpu.memory_space<vmem>>, vector<4096x64xf32>
    %mul3A = arith.constant 5.000000e-03 : f32
    %mul3A_2 = vector.broadcast %mul3A : f32 to vector<4096x64xf32>
    %mul3A_3 = arith.mulf %get3A_1, %mul3A_2 : vector<4096x64xf32>
    %get3A_4 = arith.constant 0 : index
    %get3A_5 = arith.constant 0 : index
    %get3A_6 = vector.load %arg1[%get3A_4, %get3A_5] : memref<64x32xf32, #tpu.memory_space<vmem>>, vector<64x32xf32>
    %dot_general3A = arith.constant dense<0.000000e+00> : vector<4096x32xf32>
    %dot_general3A_7 = tpu.matmul %mul3A_3, %get3A_6, %dot_general3A {dimension_numbers = #tpu.dot_dimension_numbers<[1], [0], [0], [1], [0, 0, 1, 1], [], []>, transpose_lhs_hint = false} : vector<4096x64xf32>, vector<64x32xf32>, vector<4096x32xf32> -> vector<4096x32xf32>
    %get3A_8 = arith.constant 0 : index
    %get3A_9 = arith.constant 0 : index
    %get3A_10 = vector.load %arg2[%get3A_8, %get3A_9] : memref<1x32xf32, #tpu.memory_space<vmem>>, vector<1x32xf32>
    %add3A = vector.broadcast %get3A_10 : vector<1x32xf32> to vector<4096x32xf32>
    %add3A_11 = arith.addf %dot_general3A_7, %add3A : vector<4096x32xf32>
    %swap3A = arith.constant 0 : index
    %swap3A_12 = arith.constant 0 : index
    %swap3A_13 = vector.load %arg3[%swap3A, %swap3A_12] : memref<4096x32xf32, #tpu.memory_space<vmem>>, vector<4096x32xf32>
    tpu.vector_store %arg3[%swap3A, %swap3A_12], %add3A_11 {strides = array<i32>} : memref<4096x32xf32, #tpu.memory_space<vmem>>, vector<4096x32xf32>,
    return
  }
}

</mosaic_0001>

<sc_bundles>
// kernel: kernel.5.cloned.1.call-start
scs
__scs_entry_jumppad:
0x0: {  	(pc) =	sbr.rel $0x88, $3  }
0x1: {  	(tag) =	ssettag $0x0;
	lr =	simm.s32 $0x1  }
0x2: {  	[smem:$0x3F9D] =	sst lr;
	_ =	strace $0xD0000000  }
0x3: {  	_ = 	snop  }
0x4: {  	_ = 	snop  }
0x5: {  	_ = 	snop  }
0x6: {  	_ = 	snop  }
0x7: {  	_ = 	snop  }
__scs_overlays_trampoline_lowered:
0x8: {  	[smem:$0x3FAC] =	sst s0  }
0x9: {  	[smem:$0x3FAD] =	sst s1  }
0xa: {  	[smem:$0x3FAE] =	sst s2  }
0xb: {  	[smem:$0x3FAF] =	sst s3  }
0xc: {  	[smem:$0x3FB0] =	sst s4  }
0xd: {  	[smem:$0x3FB1] =	sst s5  }
0xe: {  	[smem:$0x3FB2] =	sst s6  }
0xf: {  	[smem:$0x3FB3] =	sst s7  }
0x10: {  	[smem:$0x3FB4] =	sst s8  }
0x11: {  	[smem:$0x3FB5] =	sst s9;
	s0 =	simm.s32 @!p0 $0x0  }
0x12: {  	s1 =	sld [smem:$0x3F9B];
	s0 =	simm.s32 @p0 $0x1  }
0x13: {  	[smem:$0x3FB6] =	sst s0;
	s0 =	simm.s32 @!p1 $0x0  }
0x14: {  	s2 =	sld [smem:$0x3F9A];
	s0 =	simm.s32 @p1 $0x1  }
0x15: {  	[smem:$0x3FB7] =	sst s0;
	s0 =	simm.s32 @!p2 $0x0  }
0x16: {  	s3 =	sld [smem:$0x3FDB];
	s0 =	simm.s32 @p2 $0x1  }
0x17: {  	s4 =	simm.s32 $0x1BF5;
	[smem:$0x3FB9] =	sst s0  }
0x18: {  	s0 =	sld [smem:$0x3F9C];
	_ =	swait.ge [sflag:s4], $0x0  }
0x19: {  	s7 =	sld [smem:$0x3F9D]  }
0x1a: {  	s8 =	sadd.s32 $0xFFFFE003, lr  }
0x1b: {  	s9 =	sadd.s32 $0xFFFFFEF7, lr;
	s5 =	simm.s32 $0xFFFFFFFF;
	p2 =	slt.u32 s8, $0xFFFFF086  }
0x1c: {  	p1 =	slt.u32 s9, $0xF7A;
	s5 =	simm.s32 @!p2 $0x0  }
0x1d: {  	s5 =	simm.s32 @p1 $0x1;
	p0 =	seq.s32 s7, s2  }
0x1e: {  	s7 =	smul.u32 @!p0 $0xF7A, s2;
	p2 =	seq.s32 @!p0 s5, $0x0  }
0x1f: {  	s9 =	smul.u32 $0xF7A, s1;
	s8 =	simm.s32 @!p0 $0x1BF5;
	p2 =	por !p2, p0  }
0x20: {  	[sflag:s8] =	ssyncset.s32 @!p0 $0xFFFFF086;
	s6 =	sadd.s32 @!p0 s3, s7;
	s7 =	simm.s32 @!p0 $0x108  }
0x21: {  	s3 =	sadd.s32 s3, s9;
	s6 =	sadd.s32 @!p0 $0x88, s6;
	s7 =	simm.s32 @p2 $0x1082  }
0x22: {  	[simem:s7], [sflag:s8] =	dma.local @!p0 [hbm:s6], $0xF7A  }
0x23: {  	s9 =	sor.u32 $0xD0000000, s2;
	s6 =	simm.s32 $0x108;
	_ =	swait.ge @!p0 [sflag:s8], $0x0  }
0x24: {  	s3 =	sadd.s32 $0x88, s3;
	s6 =	simm.s32 @!p1 $0x1082;
	[sflag:s4] =	ssyncset.s32 $0xFFFFF086  }
0x25: {  	[simem:s6], [sflag:s4] =	dma.local [hbm:s3], $0xF7A  }
0x26: {  	[smem:$0x3F9D] =	sst s1;
	(tag) =	ssettag s2;
	_ =	strace s9  }
0x27: {  	s1 =	sld [smem:$0x3FAD]  }
0x28: {  	s2 =	sld [smem:$0x3FAE]  }
0x29: {  	s4 =	sld [smem:$0x3FB0]  }
0x2a: {  	p0 =	seq.s32 s5, $0x0;
	s5 =	sld [smem:$0x3FB1]  }
0x2b: {  	s6 =	sld [smem:$0x3FB2]  }
0x2c: {  	s7 =	sld [smem:$0x3FB3]  }
0x2d: {  	s3 =	simm.s32 $0x108;
	s8 =	sld [smem:$0x3FB4]  }
0x2e: {  	s3 =	simm.s32 @!p0 $0x1082;
	s9 =	sld [smem:$0x3FB5]  }
0x2f: {  	lr =	sadd.s32 s0, s3;
	s0 =	sld [smem:$0x3FAC]  }
0x30: {  	s3 =	sld [smem:$0x3FAF]  }
0x31: {  	[smem:$0x3FB8] =	sst s10  }
0x32: {  	s10 =	sld [smem:$0x3FB6];
	_ =	sdelay $0x3  }
0x33: {  	p0 =	seq.s32 s10, $0x1;
	s10 =	sld [smem:$0x3FB8];
	_ =	sdelay $0x3  }
0x34: {  	[smem:$0x3FB8] =	sst s10  }
0x35: {  	s10 =	sld [smem:$0x3FB7];
	_ =	sdelay $0x3  }
0x36: {  	p1 =	seq.s32 s10, $0x1;
	s10 =	sld [smem:$0x3FB8];
	_ =	sdelay $0x3  }
0x37: {  	[smem:$0x3FB8] =	sst s10  }
0x38: {  	s10 =	sld [smem:$0x3FB9]  }
0x39: {  	_ = 	snop;
	(pc) =	sbr.ind lr, $3  }
0x3a: {  	_ = 	snop  }
0x3b: {  	_ = 	snop  }
0x3c: {  	p2 =	seq.s32 s10, $0x1;
	s10 =	sld [smem:$0x3FB8]  }
0x3d: {  	_ =	shalt  }
0x3e: {  	_ =	shalt  }
0x3f: {  	_ =	shalt  }
0x40: {  	_ =	shalt  }
0x41: {  	_ =	shalt  }
0x42: {  	_ =	shalt  }
0x43: {  	_ =	shalt  }
0x44: {  	_ =	shalt  }
0x45: {  	_ =	shalt  }
0x46: {  	_ =	shalt  }
0x47: {  	_ =	shalt  }
0x48: {  	_ =	shalt  }
0x49: {  	_ =	shalt  }
0x4a: {  	_ =	shalt  }
0x4b: {  	_ =	shalt  }
0x4c: {  	_ =	shalt  }
0x4d: {  	_ =	shalt  }
0x4e: {  	_ =	shalt  }
0x4f: {  	_ =	shalt  }
0x50: {  	_ =	shalt  }
0x51: {  	_ =	shalt  }
0x52: {  	_ =	shalt  }
0x53: {  	_ =	shalt  }
0x54: {  	_ =	shalt  }
0x55: {  	_ =	shalt  }
0x56: {  	_ =	shalt  }
0x57: {  	_ =	shalt  }
0x58: {  	_ =	shalt  }
0x59: {  	_ =	shalt  }
0x5a: {  	_ =	shalt  }
0x5b: {  	_ =	shalt  }
0x5c: {  	_ =	shalt  }
0x5d: {  	_ =	shalt  }
0x5e: {  	_ =	shalt  }
0x5f: {  	_ =	shalt  }
0x60: {  	_ =	shalt  }
0x61: {  	_ =	shalt  }
0x62: {  	_ =	shalt  }
0x63: {  	_ =	shalt  }
0x64: {  	_ =	shalt  }
0x65: {  	_ =	shalt  }
0x66: {  	_ =	shalt  }
0x67: {  	_ =	shalt  }
0x68: {  	_ =	shalt  }
0x69: {  	_ =	shalt  }
0x6a: {  	_ =	shalt  }
0x6b: {  	_ =	shalt  }
0x6c: {  	_ =	shalt  }
0x6d: {  	_ =	shalt  }
0x6e: {  	_ =	shalt  }
0x6f: {  	_ =	shalt  }
0x70: {  	_ =	shalt  }
0x71: {  	_ =	shalt  }
0x72: {  	_ =	shalt  }
0x73: {  	_ =	shalt  }
0x74: {  	_ =	shalt  }
0x75: {  	_ =	shalt  }
0x76: {  	_ =	shalt  }
0x77: {  	_ =	shalt  }
0x78: {  	_ =	shalt  }
0x79: {  	_ =	shalt  }
0x7a: {  	_ =	shalt  }
0x7b: {  	_ =	shalt  }
0x7c: {  	_ =	shalt  }
0x7d: {  	_ =	shalt  }
0x7e: {  	_ =	shalt  }
0x7f: {  	_ =	shalt  }
0x80: {  	_ =	shalt  }
0x81: {  	_ =	shalt  }
0x82: {  	_ =	shalt  }
0x83: {  	_ =	shalt  }
0x84: {  	_ =	shalt  }
0x85: {  	_ =	shalt  }
0x86: {  	_ =	shalt  }
0x87: {  	_ =	shalt  }
.Lfunc_end0:
.L_simem_size_0:
called_computation_lowered:
.L_overlay_start_0:
0x88: {  	s2 =	sld [smem:$0x3FD9]  }
0x89: {  	s3 =	sld [smem:$0x3FFE];
	_ =	sdelay $0x1  }
0x8a: {  	s1 =	srdreg.scid  }
0x8b: {  	s0 =	sand.u32 $0x1, s1  }
0x8c: {  	s16 =	sshll.u32 s0, $0xA;
	s2 =	sadd.s32 s3, s2  }
0x8d: {  	s2 =	sadd.s32 s2, s16  }
0x8e: {  	[smem:$0x3FC4] =	sst s2  }
0x8f: {  	_ = 	snop  }
0x90: {  	(tm) =	ssettm $0x1  }
0x91: {  	s17 =	sld [smem:$0x3FFB];
	_ =	sdelay $0x3  }
0x92: {  	_ =	strace s17  }
0x93: {  	s2 =	sld [smem:$0x3FFC];
	_ =	sdelay $0x3  }
0x94: {  	_ =	strace s2  }
0x95: {  	s2 =	sld [smem:$0x3FFD];
	_ =	sdelay $0x3  }
0x96: {  	_ =	strace s2  }
0x97: {  	_ =	strace $0x8FFFFFFF  }
0x98: {  	s18 =	sld [smem:$0x3FDB];
	_ =	sdelay $0x1  }
0x99: {  	s19 =	simm.s32 $_scs_section_size  }
0x9a: {  	s4 =	simm.s32 $_size__tile_overlayer_lowered;
	s5 =	simm.s32 $_tile_overlayer_lowered  }
0x9b: {  	s22 =	simm.s32 $0x1BFF;
	s21 =	sshll.u32 s5, $0x1;
	s2 =	sadd.s32 s19, s18  }
0x9c: {  	s6 =	simm.s32 $0x0;
	s20 =	sshll.u32 s4, $0x1;
	s4 =	sadd.s32 s21, s2  }
0x9d: {  	[timem:s6], [sflag:s22] =	dma.local [hbm:s4], s20  }
0x9e: {  	_ =	swait.ge [sflag:s22], s20  }
0x9f: {  	s3 =	ssub.s32 $0x0, s20;
	[sflag:s22] =	ssyncset.done $0x0  }
0xa0: {  	[sflag:s22] =	ssyncadd.s32 s3;
	_ =	sdelay $0x1  }
0xa1: {  	s23 =	simm.s32 $0x1B8B  }
0xa2: {  	_ =	swait.ge [sflag:s23], $0x1  }
0xa3: {  	[sflag:s23] =	ssyncset.done $0x0  }
0xa4: {  	s25 =	simm.s32 $0x1B8E;
	s24 =	sld [smem:$0x3FFE];
	[sflag:s23] =	ssyncadd.s32 $0xFFFFFFFF  }
0xa5: {  	s26 =	simm.s32 $execute0_lowered;
	[smem:$0x3FD2] =	sst s25  }
0xa6: {  	s4 =	sshll.u32 s26, $0x1;
	_ =	strace $0x80000046;
	[dreg:$0x1] =	wrdreg $0xFFFFFFFF  }
0xa7: {  	s28 =	simm.s32 $_size_execute0_lowered;
	s2 =	sadd.s32 s2, s4;
	[dreg:$0x0] =	wrdreg $0x0  }
0xa8: {  	s4 =	sshll.u32 s28, $0x1;
	[dreg:$0x2] =	wrdreg s2  }
0xa9: {  	[dreg:$0x3] =	wrdreg s4  }
0xaa: {  	[dreg:$0x4] =	wrdreg $0xC0  }
0xab: {  	_ =	task [dreg:s6], $0x5FFFF  }
0xac: {  	[dreg:$0x1] =	wrdreg $0xFFFFFFFF  }
0xad: {  	[dreg:$0x0] =	wrdreg $0x60  }
0xae: {  	[dreg:$0x2] =	wrdreg s24  }
0xaf: {  	[dreg:$0x3] =	wrdreg $0x9  }
0xb0: {  	_ =	task.clear_ibuf [dreg:s6], $0x4FFFF;
	_ =	strace $0x90000046  }
0xb1: {  	s29 =	simm.s32 $0x9;
	_ =	strace $0x80000048  }
0xb2: {  	_ =	swait.ge [sflag:s29], $0x1  }
0xb3: {  	[sflag:s29] =	ssyncadd.s32 $0xFFFFFFFF  }
0xb4: {  	_ =	strace $0x90000048  }
0xb5: {  	_ =	sfence  }
0xb6: {  	s30 =	sld [smem:$0x0];
	_ =	sdelay $0x2  }
0xb7: {  	s31 =	sshll.u32 s1, $0xD;
	s1 =	sshrl.u32 s1, $0x2  }
0xb8: {  	s3 =	sand.u32 $0x4000, s31;
	s1 =	sadd.s32 s1, s30  }
0xb9: {  	s0 =	sor.u32 s3, s0;
	s1 =	sshll.u32 s1, $0x11  }
0xba: {  	s0 =	sor.u32 s1, s0  }
0xbb: {  	s0 =	sadd.s32 $0x8F2B, s0  }
0xbc: {  	[sflag:s0] =	ssyncadd.remote.s32 $0x1  }
0xbd: {  	_ =	sfence.sel $0xFFFF  }
0xbe: {  	[dreg:$0x0] =	wrdreg $0xFFFFFFFF;
	(pc) =	sbr.abs _section_cstart, $3  }
0xbf: {  	[dreg:$0x1] =	wrdreg $0xFFFFFFFF  }
0xc0: {  	_ =	task.clear_ibuf [dreg:s6], $0x2FFFF;
	_ =	strace $0x9FFFFFFF  }
0xc1: {  	(tm) =	ssettm $0x7FFFFFFF  }
tec
execute0_lowered:
.L_overlay_start_1:
0x0: {  	(tag) =	ssettag $0x1  }
0x1: {  	s1 =	srdreg.scid  }
0x2: {  	s0 =	stileid.u32;
	s4 =	rddreg [dreg:$0x0];
	s2 =	simm.s32 $0x0  }
0x3: {  	s9 =	simm.s32 $0x6800;
	s10 =	simm.s32 $0x68;
	s11 =	simm.s32 $0x8100  }
0x4: {  	s12 =	simm.s32 $0xD0;
	s13 =	simm.s32 $0x9A00;
	s14 =	simm.s32 $0x138  }
0x5: {  	s15 =	simm.s32 $0xB300;
	s16 =	simm.s32 $0x1;
	s17 =	simm.s32 $0x2  }
0x6: {  	s18 =	simm.s32 $0xCC00;
	s3 =	sand.u32 $0x1, s1;
	s1 =	rddreg [dreg:$0x1]  }
0x7: {  	s19 =	simm.s32 $0x0;
	s31 =	sshll.u32 s0, $0x1;
	[smem:$0x7FF] =	sst s2  }
0x8: {  	s5 =	sor.u32 s3, s31;
	_ =	strace $0x80000047;
	s7 =	ssub.s32 $0x2, s3  }
0x9: {  	s6 =	smul.u32 $0xD00, s5;
	s5 =	sshll.u32 s5, $0xA;
	s8 =	sshrl.u32 s7, $0x1  }
0xa: {  	s3 =	sadd.s32 $0x1AC00, s4;
	s5 =	sadd.s32 s5, s4;
	s7 =	ssub.s32 s7, s8  }
0xb: {  	s8 =	simm.s32 $0x64;
	s6 =	sadd.s32 s6, s4;
	s5 =	sadd.s32 $0x7BBE00, s5  }
0xc: {  	s4 =	sadd.s32 $0xC00, s6;
	s6 =	smax.u32 s7, $0x1;
	s7 =	simm.s32 $0x3  }
.LBB2_1:
0xd: {  	[tilespmem:s2], [sflag:$0x3] =	stream.linear.gather [hbm4b:s4+s2], $0x6800, $0x38;
	[tilespmem:$0xEC00] =	vst v63  }
0xe: {  	_ =	swait.ge [sflag:s7], $0x6800  }
0xf: {  	[sflag:s7] =	ssyncset.done $0x0  }
0x10: {  	[sflag:s7] =	ssyncadd.s32 $0xFFFF9800  }
0x11: {  	[tilespmem:s9], [sflag:$0x1] =	stream.indirect.gather [hbm4b:s3+s8], $0x40, s2, s8, $0xb8;
	[tilespmem:$0xEC00] =	vst v63  }
0x12: {  	_ = 	snop  }
0x13: {  	[tilespmem:s11], [sflag:$0x1] =	stream.indirect.gather [hbm4b:s3+s8], $0x40, s10, s8, $0xb8;
	[tilespmem:$0xEC00] =	vst v63  }
0x14: {  	_ = 	snop  }
0x15: {  	[tilespmem:s13], [sflag:$0x2] =	stream.indirect.gather [hbm4b:s3+s8], $0x40, s12, s8, $0xb8;
	[tilespmem:$0xEC00] =	vst v63  }
0x16: {  	s20 =	simm.s32 $0x0  }
0x17: {  	[tilespmem:s15], [sflag:$0x2] =	stream.indirect.gather [hbm4b:s3+s8], $0x40, s14, s8, $0xb8;
	[tilespmem:$0xEC00] =	vst v63  }
.LBB2_2:
0x18: {  	p0 =	seq.s32 s20, $0x3F  }
0x19: {  	s21 =	smul.u32 @!p0 $0x680, s20  }
0x1a: {  	_ =	swait.ge [sflag:s16], $0x3200  }
0x1b: {  	[sflag:s16] =	ssyncset.done $0x0;
	s23 =	simm.s32 @!p0 $0x64;
	s22 =	sshra.s32 @!p0 s21, $0x2  }
0x1c: {  	s24 =	simm.s32 @!p0 $0x6800;
	[sflag:s16] =	ssyncadd.s32 $0xFFFFCE00;
	s21 =	sadd.s32 @!p0 $0x1A0, s22  }
0x1d: {  	[tilespmem:s24], [sflag:$0x1] =	stream.indirect.gather @!p0 [hbm4b:s3+s23], $0x40, s21, s23, $0xb8;
	[tilespmem:$0xEC00] =	vst v63  }
0x1e: {  	s21 =	sadd.s32 @!p0 $0x208, s22;
	s24 =	simm.s32 @!p0 $0x8100  }
0x1f: {  	[tilespmem:s24], [sflag:$0x1] =	stream.indirect.gather @!p0 [hbm4b:s3+s23], $0x40, s21, s23, $0xb8;
	[tilespmem:$0xEC00] =	vst v63  }
0x20: {  	s21 =	simm.s32 $0x0  }
0x21: {  	v2 =	vld [tilespmem:s21+$0x6880]  }
0x22: {  	v4 =	vld [tilespmem:s21+$0x6890]  }
0x23: {  	v3 =	vld [tilespmem:s21+$0x68A0]  }
0x24: {  	v5 =	vld [tilespmem:s21+$0x68B0]  }
0x25: {  	v0 =	vld [tilespmem:s21+$0x68C0]  }
0x26: {  	v1 =	vld [tilespmem:s21+$0x68D0]  }
0x27: {  	v18 =	vld [tilespmem:s21+$0x6800]  }
0x28: {  	v20 =	vld [tilespmem:s21+$0x6810]  }
0x29: {  	v17 =	vld [tilespmem:s21+$0x6820]  }
0x2a: {  	v19 =	vld [tilespmem:s21+$0x6830]  }
0x2b: {  	v10 =	vimm.f32 $0.0e+00;
	v11 =	vimm.f32 $0.0e+00;
	v14 =	vld [tilespmem:s21+$0x6840]  }
0x2c: {  	v12 =	vimm.f32 $0.0e+00;
	v13 =	vimm.f32 $0.0e+00;
	v6 =	vimm.f32 $0.0e+00;
	v15 =	vld [tilespmem:s21+$0x6850]  }
0x2d: {  	v8 =	vimm.f32 $0.0e+00;
	v9 =	vimm.f32 $0.0e+00;
	v7 =	vimm.f32 $0.0e+00;
	s23 =	simm.s32 $0x400;
	v16 =	vld [tilespmem:s21+$0x6860]  }
.LBB2_3:
0x2e: {  	p1 =	sne.s32 s23, $0xC400;
	v10 =	vadd.f32 v18, v10;
	v11 =	vadd.f32 v20, v11;
	v18 =	vld [tilespmem:s21+$0x6870]  }
0x2f: {  	v12 =	vadd.f32 v17, v12;
	v13 =	vadd.f32 v19, v13;
	v17 =	vld [tilespmem:s21+$0x68E0]  }
0x30: {  	v10 =	vadd.f32 v2, v10;
	v11 =	vadd.f32 v4, v11;
	v19 =	vld [tilespmem:s21+$0x68F0];
	s21 =	sshra.s32 s23, $0x2  }
0x31: {  	v12 =	vadd.f32 v3, v12;
	v2 =	vld [tilespmem:s21+$0x6880];
	v13 =	vadd.f32 v5, v13  }
0x32: {  	v6 =	vadd.f32 v14, v6;
	v8 =	vadd.f32 v15, v8;
	v4 =	vld [tilespmem:s21+$0x6890]  }
0x33: {  	v9 =	vadd.f32 v16, v9;
	v3 =	vld [tilespmem:s21+$0x68A0];
	v7 =	vadd.f32 v18, v7  }
0x34: {  	v6 =	vadd.f32 v0, v6;
	v8 =	vadd.f32 v1, v8;
	v5 =	vld [tilespmem:s21+$0x68B0]  }
0x35: {  	v9 =	vadd.f32 v17, v9;
	v0 =	vld [tilespmem:s21+$0x68C0];
	v7 =	vadd.f32 v19, v7  }
0x36: {  	v1 =	vld [tilespmem:s21+$0x68D0]  }
0x37: {  	v18 =	vld [tilespmem:s21+$0x6800]  }
0x38: {  	v20 =	vld [tilespmem:s21+$0x6810]  }
.Ltmp0:
0x39: {  	v17 =	vld [tilespmem:s21+$0x6820];
	(pc) =	sbr.rel @p1 .LBB2_3-.Ltmp0, $4  }
0x3a: {  	v19 =	vld [tilespmem:s21+$0x6830]  }
0x3b: {  	v14 =	vld [tilespmem:s21+$0x6840]  }
0x3c: {  	v15 =	vld [tilespmem:s21+$0x6850]  }
0x3d: {  	s23 =	sadd.s32 $0x400, s23;
	v16 =	vld [tilespmem:s21+$0x6860]  }
0x3e: {  	v10 =	vadd.f32 v18, v10;
	v11 =	vadd.f32 v20, v11  }
0x3f: {  	v18 =	vld [tilespmem:s21+$0x6870];
	v12 =	vadd.f32 v17, v12;
	v13 =	vadd.f32 v19, v13  }
0x40: {  	v17 =	vld [tilespmem:s21+$0x68E0];
	v2 =	vadd.f32 v2, v10;
	v4 =	vadd.f32 v4, v11  }
0x41: {  	v10 =	vld [tilespmem:s21+$0x68F0];
	v3 =	vadd.f32 v3, v12;
	v6 =	vadd.f32 v14, v6  }
0x42: {  	v5 =	vadd.f32 v5, v13;
	v8 =	vadd.f32 v15, v8  }
0x43: {  	v9 =	vadd.f32 v16, v9;
	v0 =	vadd.f32 v0, v6  }
0x44: {  	v6 =	vadd.f32 v18, v7;
	v1 =	vadd.f32 v1, v8  }
0x45: {  	s31 =	sshll.u32 s20, $0x7;
	v7 =	vadd.f32 v17, v9;
	v0 =	vadd.f32 v0, v2  }
0x46: {  	s21 =	sand.u32 $0x3FFFFF80, s31;
	v2 =	vadd.f32 v10, v6;
	v1 =	vadd.f32 v1, v4  }
0x47: {  	[tilespmem:s21+$0xCC00] =	vst v0;
	v0 =	vadd.f32 v7, v3  }
0x48: {  	[tilespmem:s21+$0xCC10] =	vst v1;
	v1 =	vadd.f32 v2, v5  }
0x49: {  	[tilespmem:s21+$0xCC20] =	vst v0  }
0x4a: {  	[tilespmem:s21+$0xCC30] =	vst v1  }
0x4b: {  	_ =	swait.ge [sflag:s17], $0x3200  }
0x4c: {  	s23 =	sadd.s32 @!p0 $0x270, s22;
	[sflag:s17] =	ssyncset.done $0x0  }
0x4d: {  	s24 =	simm.s32 @!p0 $0x64;
	s25 =	simm.s32 @!p0 $0x9A00;
	[sflag:s17] =	ssyncadd.s32 $0xFFFFCE00  }
0x4e: {  	[tilespmem:s25], [sflag:$0x2] =	stream.indirect.gather @!p0 [hbm4b:s3+s24], $0x40, s23, s24, $0xb8;
	[tilespmem:$0xEC00] =	vst v63  }
0x4f: {  	s22 =	sadd.s32 @!p0 $0x2D8, s22;
	s23 =	simm.s32 @!p0 $0xB300  }
0x50: {  	[tilespmem:s23], [sflag:$0x2] =	stream.indirect.gather @!p0 [hbm4b:s3+s24], $0x40, s22, s24, $0xb8;
	[tilespmem:$0xEC00] =	vst v63  }
0x51: {  	s22 =	simm.s32 $0x0  }
0x52: {  	v2 =	vld [tilespmem:s22+$0x9A80]  }
0x53: {  	v4 =	vld [tilespmem:s22+$0x9A90]  }
0x54: {  	v3 =	vld [tilespmem:s22+$0x9AA0]  }
0x55: {  	v5 =	vld [tilespmem:s22+$0x9AB0]  }
0x56: {  	v0 =	vld [tilespmem:s22+$0x9AC0]  }
0x57: {  	v1 =	vld [tilespmem:s22+$0x9AD0]  }
0x58: {  	v18 =	vld [tilespmem:s22+$0x9A00]  }
0x59: {  	v20 =	vld [tilespmem:s22+$0x9A10]  }
0x5a: {  	v17 =	vld [tilespmem:s22+$0x9A20]  }
0x5b: {  	v19 =	vld [tilespmem:s22+$0x9A30]  }
0x5c: {  	v11 =	vimm.f32 $0.0e+00;
	v12 =	vimm.f32 $0.0e+00;
	v14 =	vld [tilespmem:s22+$0x9A40]  }
0x5d: {  	v13 =	vimm.f32 $0.0e+00;
	v8 =	vimm.f32 $0.0e+00;
	v9 =	vimm.f32 $0.0e+00;
	v15 =	vld [tilespmem:s22+$0x9A50]  }
0x5e: {  	v10 =	vimm.f32 $0.0e+00;
	v6 =	vimm.f32 $0.0e+00;
	v7 =	vimm.f32 $0.0e+00;
	s23 =	simm.s32 $0x400;
	v16 =	vld [tilespmem:s22+$0x9A60]  }
.LBB2_5:
0x5f: {  	p0 =	sne.s32 s23, $0xC400;
	v10 =	vadd.f32 v18, v10;
	v11 =	vadd.f32 v20, v11;
	v18 =	vld [tilespmem:s22+$0x9A70]  }
0x60: {  	v12 =	vadd.f32 v17, v12;
	v13 =	vadd.f32 v19, v13;
	v17 =	vld [tilespmem:s22+$0x9AE0]  }
0x61: {  	v10 =	vadd.f32 v2, v10;
	v11 =	vadd.f32 v4, v11;
	v19 =	vld [tilespmem:s22+$0x9AF0];
	s22 =	sshra.s32 s23, $0x2  }
0x62: {  	v12 =	vadd.f32 v3, v12;
	v2 =	vld [tilespmem:s22+$0x9A80];
	v13 =	vadd.f32 v5, v13  }
0x63: {  	v6 =	vadd.f32 v14, v6;
	v8 =	vadd.f32 v15, v8;
	v4 =	vld [tilespmem:s22+$0x9A90]  }
0x64: {  	v9 =	vadd.f32 v16, v9;
	v3 =	vld [tilespmem:s22+$0x9AA0];
	v7 =	vadd.f32 v18, v7  }
0x65: {  	v6 =	vadd.f32 v0, v6;
	v8 =	vadd.f32 v1, v8;
	v5 =	vld [tilespmem:s22+$0x9AB0]  }
0x66: {  	v9 =	vadd.f32 v17, v9;
	v0 =	vld [tilespmem:s22+$0x9AC0];
	v7 =	vadd.f32 v19, v7  }
0x67: {  	v1 =	vld [tilespmem:s22+$0x9AD0]  }
0x68: {  	v18 =	vld [tilespmem:s22+$0x9A00]  }
0x69: {  	v20 =	vld [tilespmem:s22+$0x9A10]  }
.Ltmp1:
0x6a: {  	v17 =	vld [tilespmem:s22+$0x9A20];
	(pc) =	sbr.rel @p0 .LBB2_5-.Ltmp1, $4  }
0x6b: {  	v19 =	vld [tilespmem:s22+$0x9A30]  }
0x6c: {  	v14 =	vld [tilespmem:s22+$0x9A40]  }
0x6d: {  	v15 =	vld [tilespmem:s22+$0x9A50]  }
0x6e: {  	s23 =	sadd.s32 $0x400, s23;
	v16 =	vld [tilespmem:s22+$0x9A60]  }
0x6f: {  	v10 =	vadd.f32 v18, v10;
	v11 =	vadd.f32 v20, v11  }
0x70: {  	v56 =	vld [tilespmem:s22+$0x9A70];
	v12 =	vadd.f32 v17, v12;
	v13 =	vadd.f32 v19, v13  }
0x71: {  	v57 =	vld [tilespmem:s22+$0x9AE0];
	v2 =	vadd.f32 v2, v10;
	v4 =	vadd.f32 v4, v11  }
0x72: {  	v58 =	vld [tilespmem:s22+$0x9AF0];
	v3 =	vadd.f32 v3, v12;
	v6 =	vadd.f32 v14, v6  }
0x73: {  	v5 =	vadd.f32 v5, v13;
	v8 =	vadd.f32 v15, v8  }
0x74: {  	v9 =	vadd.f32 v16, v9;
	v0 =	vadd.f32 v0, v6  }
0x75: {  	s20 =	sadd.s32 $0x1, s20;
	v59 =	vadd.f32 v56, v7;
	v1 =	vadd.f32 v1, v8  }
0x76: {  	p0 =	sne.s32 s20, $0x40;
	v60 =	vadd.f32 v57, v9;
	v0 =	vadd.f32 v0, v2  }
.Ltmp2:
0x77: {  	v61 =	vadd.f32 v58, v59;
	v1 =	vadd.f32 v1, v4;
	(pc) =	sbr.rel @p0 .LBB2_2-.Ltmp2, $4  }
0x78: {  	[tilespmem:s21+$0xCC40] =	vst v0;
	v62 =	vadd.f32 v60, v3  }
0x79: {  	[tilespmem:s21+$0xCC50] =	vst v1;
	v63 =	vadd.f32 v61, v5  }
0x7a: {  	[tilespmem:s21+$0xCC60] =	vst v62  }
0x7b: {  	[tilespmem:s21+$0xCC70] =	vst v63  }
0x7c: {  	s19 =	sadd.s32 $0x1, s19  }
0x7d: {  	p0 =	sne.s32 s19, s6  }
.Ltmp3:
0x7e: {  	_ = 	snop;
	(pc) =	sbr.rel @p0 .LBB2_1-.Ltmp3, $4  }
0x7f: {  	[hbm4b:s5+s2] =	stream.linear.scatter [tilespmem:s18], [sflag:$0x3], $0x2000, $0x38;
	[tilespmem:$0xEC00] =	vst v63  }
0x80: {  	_ =	swait.ge [sflag:s7], $0x2000  }
0x81: {  	[sflag:s7] =	ssyncset.done $0x0  }
0x82: {  	[sflag:s7] =	ssyncadd.s32 $0xFFFFE000  }
0x83: {  	_ =	sfence.sel $0x180000  }
0x84: {  	[bflag:$0x0] =	sbarrier.arrive $0xFFFF  }
0x85: {  	p0 =	sne.s32 s0, $0x0;
	_ =	strace $0x90000047  }
0x86: {  	s0 =	sadd.s32 @!p0 $0x100000, s1;
	[bflag:$0x2] =	sbarrier.arrive $0xFFFF  }
0x87: {  	[sflag:s0] =	ssyncadd.tile.s32 @!p0 $0x1;
	_ =	shalt  }
.Lfunc_end2:
_tile_overlayer_lowered:
.L_overlay_start_2:
0x88: {  	(tag) =	ssettag $0x2  }
0x89: {  	s0 =	rddreg [dreg:$0x0];
	s2 =	stileid.u32  }
0x8a: {  	s1 =	rddreg [dreg:$0x1];
	p0 =	sne.s32 s2, $0x0  }
0x8b: {  	s3 =	rddreg [dreg:$0x2];
	[bflag:$0x3] =	sbarrier.arrive $0xFFFF;
	s2 =	simm.s32 @!p0 $0x1C03  }
0x8c: {  	[timem:s3], [sflag:s2] =	dma.local @!p0 [hbm:s0], s1  }
0x8d: {  	s0 =	simm.s32 @!p0 $0x3  }
0x8e: {  	_ =	swait.ge @!p0 [sflag:s0], s1  }
0x8f: {  	s1 =	ssub.s32 @!p0 $0x0, s1;
	[sflag:s0] =	ssyncset.done @!p0 $0x0  }
0x90: {  	[sflag:s0] =	ssyncadd.s32 @!p0 s1  }
0x91: {  	[bflag:$0x3] =	sbarrier.arrive $0xFFFF  }
0x92: {  	_ =	shalt  }

</sc_bundles>
